<compile_context>
chip_gen: v7x
topology: tpu7x:2x2x1
jax: 0.10.2.dev20260603
libtpu: 0.0.44.dev20260713+nightly
codegen_flags: <defaults>
</compile_context>

<pallas_src>
import jax
import jax.numpy as jnp
from jax import lax
from jax.experimental import pallas as pl
from jax.experimental.pallas import tpu as pltpu
from jax.experimental.pallas import tpu_sc as plsc

N = 10000
E = 320000
F = 64

NC = 2
NS = 16
NW = NC * NS
CHUNK = 256
NB = 4
NCH = -(-E // (NW * CHUNK))
NCH += (-NCH) % NB
EPAD = NW * NCH * CHUNK
NP = 10240
RPT = NP // NS


def _make_sc(with_count):
    def body(*refs):
        it = iter(refs)
        src_h = next(it)
        dst_h = next(it)
        p_h = next(it)
        zb_h = next(it)
        if with_count:
            zc_h = next(it)
            one_h = next(it)
        agg_o = next(it)
        if with_count:
            cnt_o = next(it)
        srcv = next(it)
        dstv = next(it)
        bufs = tuple(next(it) for _ in range(NB))
        acc_s = next(it)
        if with_count:
            cnt_s = next(it)
            onesv = next(it)
        gsems = tuple(next(it) for _ in range(NB))
        ssems = tuple(next(it) for _ in range(NB))

        c = lax.axis_index("c")
        s = lax.axis_index("s")
        wid = c * NS + s

        pltpu.sync_copy(src_h.at[wid], srcv)
        pltpu.sync_copy(dst_h.at[wid], dstv)
        if with_count:
            pltpu.sync_copy(one_h, onesv)

        pltpu.sync_copy(zb_h, acc_s.at[pl.ds(s * RPT, RPT)])
        if with_count:
            pltpu.sync_copy(zc_h, cnt_s.at[pl.ds(s * RPT, RPT)])
        plsc.subcore_barrier()

        def gather_start(j, b):
            pltpu.async_copy(p_h.at[srcv.at[j]], bufs[b], gsems[b])

        def gather_wait(j, b):
            pltpu.make_async_copy(p_h.at[srcv.at[j]], bufs[b], gsems[b]).wait()

        def scatter_start(j, b):
            pltpu.async_copy(bufs[b], acc_s.at[dstv.at[j]], ssems[b], add=True)
            if with_count:
                pltpu.sync_copy(onesv, cnt_s.at[dstv.at[j]], add=True)

        def scatter_wait(j, b):
            pltpu.make_async_copy(bufs[b], acc_s.at[dstv.at[j]],
                                  ssems[b]).wait()

        LOOK = NB // 2
        for j in range(LOOK):
            gather_start(j, j)

        def step(i, carry):
            for b in range(NB):
                cc = NB * i + b
                b2 = (b + LOOK) % NB

                @pl.when(cc >= LOOK)
                def _():
                    scatter_wait(cc - LOOK, b2)

                @pl.when(cc + LOOK < NCH)
                def _():
                    gather_start(cc + LOOK, b2)

                gather_wait(cc, b)
                scatter_start(cc, b)
            return carry

        lax.fori_loop(0, NCH // NB, step, 0)
        for j in range(LOOK):
            cc = NCH - LOOK + j
            scatter_wait(cc, cc % NB)
        plsc.subcore_barrier()

        @pl.when(s < NS - 1)
        def _():
            pltpu.sync_copy(acc_s.at[pl.ds(s * RPT, RPT)],
                            agg_o.at[c, pl.ds(s * RPT, RPT)])
            if with_count:
                pltpu.sync_copy(cnt_s.at[pl.ds(s * RPT, RPT)],
                                cnt_o.at[c, pl.ds(s * RPT, RPT)])

        @pl.when(s == NS - 1)
        def _():
            last = N - (NS - 1) * RPT
            pltpu.sync_copy(acc_s.at[pl.ds((NS - 1) * RPT, last)],
                            agg_o.at[c, pl.ds((NS - 1) * RPT, last)])
            if with_count:
                pltpu.sync_copy(cnt_s.at[pl.ds((NS - 1) * RPT, last)],
                                cnt_o.at[c, pl.ds((NS - 1) * RPT, last)])

    out_type = [jax.ShapeDtypeStruct((NC, N, F), jnp.float32)]
    scratch = [
        pltpu.VMEM((NCH, CHUNK), jnp.int32),
        pltpu.VMEM((NCH, CHUNK), jnp.int32),
    ] + [pltpu.VMEM((CHUNK, F), jnp.float32)] * NB + [
        pltpu.VMEM_SHARED((NP, F), jnp.float32),
    ]
    if with_count:
        out_type.append(jax.ShapeDtypeStruct((NC, N), jnp.float32))
        scratch += [pltpu.VMEM_SHARED((NP,), jnp.float32),
                    pltpu.VMEM((CHUNK,), jnp.float32)]
    scratch += [pltpu.SemaphoreType.DMA] * (2 * NB)

    return pl.kernel(
        body,
        out_type=tuple(out_type),
        mesh=plsc.VectorSubcoreMesh(core_axis_name="c", subcore_axis_name="s"),
        scratch_types=scratch,
        compiler_params=pltpu.CompilerParams(use_tc_tiling_on_sc=False),
    )


_sc_segsum_cnt = _make_sc(True)
_sc_segsum = _make_sc(False)


BLK = 1000


def _tc1a_body(x_r, wl_r, p1_r):
    p1_r[...] = jnp.dot(x_r[...], wl_r[...],
                        preferred_element_type=jnp.float32)


def _tc1b_body(x_r, xe_r, wr_r, we_r, be_r, bl_r, base1_r, e_r):
    xe = xe_r[...]
    e0 = (xe[:, 0:64] + xe[:, 64:128] + xe[:, 128:192] + xe[:, 192:256]) * 0.25
    e1 = jnp.dot(e0, we_r[...], preferred_element_type=jnp.float32) + be_r[...]
    base1_r[...] = (jnp.dot(x_r[...], wr_r[...],
                            preferred_element_type=jnp.float32)
                    + e1 + bl_r[...])
    e_r[...] = e1


def _tc2a_body(agg_r, cnt_r, base1_r, wl2_r, p2_r, x_r):
    agg = agg_r[0] + agg_r[1]
    csum = cnt_r[:, 0:1] + cnt_r[:, 1:2]
    inv = 1.0 / jnp.maximum(csum, 1.0)
    x = jnp.maximum(agg * inv + base1_r[...], 0.0)
    p2_r[...] = jnp.dot(x, wl2_r[...], preferred_element_type=jnp.float32)
    x_r[...] = x


def _tc2b_body(x_r, e_r, wr2_r, we2_r, b2_r, base2_r):
    base2_r[...] = (jnp.dot(x_r[...], wr2_r[...],
                            preferred_element_type=jnp.float32)
                    + jnp.dot(e_r[...], we2_r[...],
                              preferred_element_type=jnp.float32)
                    + b2_r[...])


def _tc3_body(agg_r, cnt_r, base2_r, out_r):
    agg = agg_r[0] + agg_r[1]
    csum = cnt_r[:, 0:1] + cnt_r[:, 1:2]
    inv = 1.0 / jnp.maximum(csum, 1.0)
    out_r[...] = agg * inv + base2_r[...]


def _row_spec(width):
    return pl.BlockSpec((BLK, width), lambda i: (i, 0))


def _full_spec(shape):
    nd = len(shape)
    return pl.BlockSpec(shape, lambda i: (0,) * nd)


_tc1a = pl.pallas_call(
    _tc1a_body,
    grid=(N // BLK,),
    in_specs=[_row_spec(128), _full_spec((128, F))],
    out_specs=_row_spec(F),
    out_shape=jax.ShapeDtypeStruct((N, F), jnp.float32),
)

_tc1b = pl.pallas_call(
    _tc1b_body,
    grid=(N // BLK,),
    in_specs=[_row_spec(128), _row_spec(256), _full_spec((128, F)),
              _full_spec((F, F)), _full_spec((1, F)), _full_spec((1, F))],
    out_specs=[_row_spec(F), _row_spec(F)],
    out_shape=[jax.ShapeDtypeStruct((N, F), jnp.float32)] * 2,
)

_agg_spec = pl.BlockSpec((NC, BLK, F), lambda i: (0, i, 0))
_cnt_spec = pl.BlockSpec((BLK, NC), lambda i: (i, 0))

_tc2a = pl.pallas_call(
    _tc2a_body,
    grid=(N // BLK,),
    in_specs=[_agg_spec, _cnt_spec, _row_spec(F), _full_spec((F, F))],
    out_specs=[_row_spec(F), _row_spec(F)],
    out_shape=[jax.ShapeDtypeStruct((N, F), jnp.float32)] * 2,
)

_tc2b = pl.pallas_call(
    _tc2b_body,
    grid=(N // BLK,),
    in_specs=[_row_spec(F), _row_spec(F), _full_spec((F, F)),
              _full_spec((F, F)), _full_spec((1, F))],
    out_specs=_row_spec(F),
    out_shape=jax.ShapeDtypeStruct((N, F), jnp.float32),
)

_tc3 = pl.pallas_call(
    _tc3_body,
    grid=(N // BLK,),
    in_specs=[_agg_spec, _cnt_spec, _row_spec(F)],
    out_specs=_row_spec(F),
    out_shape=jax.ShapeDtypeStruct((N, F), jnp.float32),
)


def kernel(x_feat, x_emb, edge_index, Wl1, bl1, Wr1, We1, be1,
           Wl2, bl2, Wr2, We2, be2):
    src = edge_index[0]
    dst = edge_index[1]
    pad = EPAD - E
    pidx = jnp.arange(pad, dtype=jnp.int32)
    src_p = jnp.concatenate([src, pidx % N])
    dst_p = jnp.concatenate([dst, N + pidx % (NP - N)])
    src3 = src_p.reshape(NW, NCH, CHUNK)
    dst3 = dst_p.reshape(NW, NCH, CHUNK)
    xe = x_emb.reshape(N, x_emb.shape[1] * x_emb.shape[2])
    b1e = be1.reshape(1, F)
    b1l = bl1.reshape(1, F)
    b2 = (bl2 + be2).reshape(1, F)
    zb = jnp.zeros((RPT, F), jnp.float32)
    zc = jnp.zeros((RPT,), jnp.float32)
    ones = jnp.ones((CHUNK,), jnp.float32)

    p1 = _tc1a(x_feat, Wl1)

    agg1, cnt = _sc_segsum_cnt(src3, dst3, p1, zb, zc, ones)
    cnt_t = cnt.T
    base1, e = _tc1b(x_feat, xe, Wr1, We1, b1e, b1l)

    p2, x = _tc2a(agg1, cnt_t, base1, Wl2)

    (agg2,) = _sc_segsum(src3, dst3, p2, zb)
    base2 = _tc2b(x, e, Wr2, We2, b2)

    (agg2,) = _sc_segsum(src3, dst3, p2, zb)

    return _tc3(agg2, cnt_t, base2)

# --- scband reference (transcript-rebuilt; emitter-appended) ---
"""Pipeline reference for scband-classifier-f-87917980549692 (READ-ONLY COPY).

The authoritative reference and input builder live on the scoring server;
editing this copy changes nothing except your own understanding.
"""

import jax, jax.numpy as jnp
import numpy as np

N = 10000
E = 320000
D = 128
H = 64
EMB = 64
M = 4
OUT = 64


def setup_inputs(seed: int = 0) -> dict:
    key = jax.random.key(seed)
    ks = jax.random.split(key, 16)
    x_feat = jax.random.normal(ks[0], (N, D), dtype=jnp.float32)
    x_emb = jax.random.normal(ks[1], (N, M, EMB), dtype=jnp.float32)
    edge_index = jax.random.randint(ks[2], (2, E), 0, N, dtype=jnp.int32)
    # Layer 1: SAGEConv(D -> H) with lin_l (neighbor) + lin_r (root), Linear(EMB -> H)
    Wl1 = jax.random.normal(ks[3], (D, H), dtype=jnp.float32) / np.sqrt(D)
    bl1 = jnp.zeros((H,), dtype=jnp.float32)
    Wr1 = jax.random.normal(ks[4], (D, H), dtype=jnp.float32) / np.sqrt(D)
    We1 = jax.random.normal(ks[5], (EMB, H), dtype=jnp.float32) / np.sqrt(EMB)
    be1 = jnp.zeros((H,), dtype=jnp.float32)
    # Layer 2 (last): SAGEConv(H -> OUT), Linear(EMB -> OUT)  (EMB == H)
    Wl2 = jax.random.normal(ks[6], (H, OUT), dtype=jnp.float32) / np.sqrt(H)
    bl2 = jnp.zeros((OUT,), dtype=jnp.float32)
    Wr2 = jax.random.normal(ks[7], (H, OUT), dtype=jnp.float32) / np.sqrt(H)
    We2 = jax.random.normal(ks[8], (EMB, OUT), dtype=jnp.float32) / np.sqrt(EMB)
    be2 = jnp.zeros((OUT,), dtype=jnp.float32)
    return {"x_feat": x_feat, "x_emb": x_emb, "edge_index": edge_index,
            "Wl1": Wl1, "bl1": bl1, "Wr1": Wr1, "We1": We1, "be1": be1,
            "Wl2": Wl2, "bl2": bl2, "Wr2": Wr2, "We2": We2, "be2": be2}


def _sage(x, src, dst, Wl, bl, Wr):
    # PyG SAGEConv (aggr='mean', root_weight=True): lin_l(mean_j x_j) + lin_r(x_i)
    msg = x[src]
    agg = jax.ops.segment_sum(msg, dst, num_segments=N)
    cnt = jax.ops.segment_sum(jnp.ones((src.shape[0],), dtype=x.dtype), dst, num_segments=N)
    mean = agg / jnp.clip(cnt, 1.0)[:, None]
    return mean @ Wl + bl + x @ Wr


def reference(x_feat, x_emb, edge_index, Wl1, bl1, Wr1, We1, be1, Wl2, bl2, Wr2, We2, be2):
    src = edge_index[0]
    dst = edge_index[1]
    e = jnp.mean(x_emb, axis=1)
    # layer 1 (not last): relu(sage + linear(emb)); dropout p=0.0 is identity
    h = _sage(x_feat, src, dst, Wl1, bl1, Wr1)
    e = e @ We1 + be1
    x = jax.nn.relu(h + e)
    # layer 2 (last): sage + linear(emb)
    h = _sage(x, src, dst, Wl2, bl2, Wr2)
    e2 = e @ We2 + be2
    return h + e2

if __name__ == "__main__":
    import jax
    _d = setup_inputs()
    print(jax.jit(kernel)(*tuple(_d.values())))

</pallas_src>

<mosaic_0001>
#map = affine_map<(d0, d1) -> (0, 0, 0)>
#map1 = affine_map<(d0, d1) -> (0, 0)>
#map2 = affine_map<(d0, d1) -> (0)>
module attributes {stable_mosaic.version = 14 : i64} {
  func.func @body(%arg0: i32, %arg1: i32, %arg2: memref<32x40x256xi32, #tpu.memory_space<hbm>>, %arg3: memref<32x40x256xi32, #tpu.memory_space<hbm>>, %arg4: memref<10000x64xf32, #tpu.memory_space<hbm>>, %arg5: memref<640x64xf32, #tpu.memory_space<hbm>>, %arg6: memref<640xf32, #tpu.memory_space<hbm>>, %arg7: memref<256xf32, #tpu.memory_space<hbm>>, %arg8: memref<2x10000x64xf32, #tpu.memory_space<hbm>>, %arg9: memref<2x10000xf32, #tpu.memory_space<hbm>>, %arg10: memref<40x256xi32, #tpu.memory_space<vmem>>, %arg11: memref<40x256xi32, #tpu.memory_space<vmem>>, %arg12: memref<256x64xf32, #tpu.memory_space<vmem>>, %arg13: memref<256x64xf32, #tpu.memory_space<vmem>>, %arg14: memref<256x64xf32, #tpu.memory_space<vmem>>, %arg15: memref<256x64xf32, #tpu.memory_space<vmem>>, %arg16: memref<10240x64xf32, #tpu.memory_space<vmem_shared>>, %arg17: memref<10240xf32, #tpu.memory_space<vmem_shared>>, %arg18: memref<256xf32, #tpu.memory_space<vmem>>, %arg19: memref<!tpu.dma_semaphore, #tpu.memory_space<semaphore_mem>>, %arg20: memref<!tpu.dma_semaphore, #tpu.memory_space<semaphore_mem>>, %arg21: memref<!tpu.dma_semaphore, #tpu.memory_space<semaphore_mem>>, %arg22: memref<!tpu.dma_semaphore, #tpu.memory_space<semaphore_mem>>, %arg23: memref<!tpu.dma_semaphore, #tpu.memory_space<semaphore_mem>>, %arg24: memref<!tpu.dma_semaphore, #tpu.memory_space<semaphore_mem>>, %arg25: memref<!tpu.dma_semaphore, #tpu.memory_space<semaphore_mem>>, %arg26: memref<!tpu.dma_semaphore, #tpu.memory_space<semaphore_mem>>) attributes {dimension_semantics = [#tpu.dimension_semantics<core_parallel>, #tpu.dimension_semantics<subcore_parallel>], iteration_bounds = array<i64: 2, 16>, scalar_prefetch = 0 : i64, scratch_operands = 17 : i64, tpu.core_type = #tpu.core_type<sc_vector_subcore>, window_params = [{transform_indices = #map}, {transform_indices = #map}, {transform_indices = #map1}, {transform_indices = #map1}, {transform_indices = #map2}, {transform_indices = #map2}, {transform_indices = #map}, {transform_indices = #map1}]} {
    %mul3A = arith.constant 16 : i32
    %mul3A_0 = arith.muli %arg0, %mul3A : i32
    %add3A = arith.addi %mul3A_0, %arg1 : i32
    "tpu.region"() ({
      %run_scoped3A = tpu.sem_alloc : memref<!tpu.dma_semaphore, #tpu.memory_space<semaphore_mem>>
      %dma_start3A_43 = arith.constant 0 : i32
      %dma_start3A_44 = arith.constant 0 : i32
      %dma_start3A_45 = tpu.memref_slice %arg2[%add3A, %dma_start3A_43, %dma_start3A_44] : memref<32x40x256xi32, #tpu.memory_space<hbm>> -> memref<1x40x256xi32, #tpu.memory_space<hbm>>
      %dma_start3A_46 = tpu.memref_squeeze %dma_start3A_45 : memref<1x40x256xi32, #tpu.memory_space<hbm>> -> memref<40x256xi32, #tpu.memory_space<hbm>>
      %dma_start3A_47 = arith.constant 0 : i32
      %dma_start3A_48 = arith.constant 0 : i32
      %dma_start3A_49 = tpu.memref_slice %arg2[%add3A, %dma_start3A_47, %dma_start3A_48] : memref<32x40x256xi32, #tpu.memory_space<hbm>> -> memref<1x40x256xi32, #tpu.memory_space<hbm>>
      %dma_start3A_50 = tpu.memref_squeeze %dma_start3A_49 : memref<1x40x256xi32, #tpu.memory_space<hbm>> -> memref<40x256xi32, #tpu.memory_space<hbm>>
      tpu.enqueue_dma source(%dma_start3A_50 : memref<40x256xi32, #tpu.memory_space<hbm>>) target(%arg10 : memref<40x256xi32, #tpu.memory_space<vmem>>) target_semaphore(%run_scoped3A : memref<!tpu.dma_semaphore, #tpu.memory_space<semaphore_mem>>)
      %dma_wait3A_51 = arith.constant 0 : i32
      %dma_wait3A_52 = arith.constant 0 : i32
      %dma_wait3A_53 = tpu.memref_slice %arg2[%add3A, %dma_wait3A_51, %dma_wait3A_52] : memref<32x40x256xi32, #tpu.memory_space<hbm>> -> memref<1x40x256xi32, #tpu.memory_space<hbm>>
      %dma_wait3A_54 = tpu.memref_squeeze %dma_wait3A_53 : memref<1x40x256xi32, #tpu.memory_space<hbm>> -> memref<40x256xi32, #tpu.memory_space<hbm>>
      %dma_wait3A_55 = arith.constant 0 : i32
      %dma_wait3A_56 = arith.constant 0 : i32
      %dma_wait3A_57 = tpu.memref_slice %arg2[%add3A, %dma_wait3A_55, %dma_wait3A_56] : memref<32x40x256xi32, #tpu.memory_space<hbm>> -> memref<1x40x256xi32, #tpu.memory_space<hbm>>
      %dma_wait3A_58 = tpu.memref_squeeze %dma_wait3A_57 : memref<1x40x256xi32, #tpu.memory_space<hbm>> -> memref<40x256xi32, #tpu.memory_space<hbm>>
      tpu.wait_dma2 semaphore(%run_scoped3A : memref<!tpu.dma_semaphore, #tpu.memory_space<semaphore_mem>>) src(%dma_wait3A_58 : memref<40x256xi32, #tpu.memory_space<hbm>>) dst(%arg10 : memref<40x256xi32, #tpu.memory_space<vmem>>)
      tpu.yield
    }) : () -> ()
    "tpu.region"() ({
      %run_scoped3A = tpu.sem_alloc : memref<!tpu.dma_semaphore, #tpu.memory_space<semaphore_mem>>
      %dma_start3A_43 = arith.constant 0 : i32
      %dma_start3A_44 = arith.constant 0 : i32
      %dma_start3A_45 = tpu.memref_slice %arg3[%add3A, %dma_start3A_43, %dma_start3A_44] : memref<32x40x256xi32, #tpu.memory_space<hbm>> -> memref<1x40x256xi32, #tpu.memory_space<hbm>>
      %dma_start3A_46 = tpu.memref_squeeze %dma_start3A_45 : memref<1x40x256xi32, #tpu.memory_space<hbm>> -> memref<40x256xi32, #tpu.memory_space<hbm>>
      %dma_start3A_47 = arith.constant 0 : i32
      %dma_start3A_48 = arith.constant 0 : i32
      %dma_start3A_49 = tpu.memref_slice %arg3[%add3A, %dma_start3A_47, %dma_start3A_48] : memref<32x40x256xi32, #tpu.memory_space<hbm>> -> memref<1x40x256xi32, #tpu.memory_space<hbm>>
      %dma_start3A_50 = tpu.memref_squeeze %dma_start3A_49 : memref<1x40x256xi32, #tpu.memory_space<hbm>> -> memref<40x256xi32, #tpu.memory_space<hbm>>
      tpu.enqueue_dma source(%dma_start3A_50 : memref<40x256xi32, #tpu.memory_space<hbm>>) target(%arg11 : memref<40x256xi32, #tpu.memory_space<vmem>>) target_semaphore(%run_scoped3A : memref<!tpu.dma_semaphore, #tpu.memory_space<semaphore_mem>>)
      %dma_wait3A_51 = arith.constant 0 : i32
      %dma_wait3A_52 = arith.constant 0 : i32
      %dma_wait3A_53 = tpu.memref_slice %arg3[%add3A, %dma_wait3A_51, %dma_wait3A_52] : memref<32x40x256xi32, #tpu.memory_space<hbm>> -> memref<1x40x256xi32, #tpu.memory_space<hbm>>
      %dma_wait3A_54 = tpu.memref_squeeze %dma_wait3A_53 : memref<1x40x256xi32, #tpu.memory_space<hbm>> -> memref<40x256xi32, #tpu.memory_space<hbm>>
      %dma_wait3A_55 = arith.constant 0 : i32
      %dma_wait3A_56 = arith.constant 0 : i32
      %dma_wait3A_57 = tpu.memref_slice %arg3[%add3A, %dma_wait3A_55, %dma_wait3A_56] : memref<32x40x256xi32, #tpu.memory_space<hbm>> -> memref<1x40x256xi32, #tpu.memory_space<hbm>>
      %dma_wait3A_58 = tpu.memref_squeeze %dma_wait3A_57 : memref<1x40x256xi32, #tpu.memory_space<hbm>> -> memref<40x256xi32, #tpu.memory_space<hbm>>
      tpu.wait_dma2 semaphore(%run_scoped3A : memref<!tpu.dma_semaphore, #tpu.memory_space<semaphore_mem>>) src(%dma_wait3A_58 : memref<40x256xi32, #tpu.memory_space<hbm>>) dst(%arg11 : memref<40x256xi32, #tpu.memory_space<vmem>>)
      tpu.yield
    }) : () -> ()
    "tpu.region"() ({
      %run_scoped3A = tpu.sem_alloc : memref<!tpu.dma_semaphore, #tpu.memory_space<semaphore_mem>>
      tpu.enqueue_dma source(%arg7 : memref<256xf32, #tpu.memory_space<hbm>>) target(%arg18 : memref<256xf32, #tpu.memory_space<vmem>>) target_semaphore(%run_scoped3A : memref<!tpu.dma_semaphore, #tpu.memory_space<semaphore_mem>>)
      tpu.wait_dma2 semaphore(%run_scoped3A : memref<!tpu.dma_semaphore, #tpu.memory_space<semaphore_mem>>) src(%arg7 : memref<256xf32, #tpu.memory_space<hbm>>) dst(%arg18 : memref<256xf32, #tpu.memory_space<vmem>>)
      tpu.yield
    }) : () -> ()
    %mul3A_1 = arith.constant 640 : i32
    %mul3A_2 = arith.muli %arg1, %mul3A_1 : i32
    "tpu.region"() ({
      %run_scoped3A = tpu.sem_alloc : memref<!tpu.dma_semaphore, #tpu.memory_space<semaphore_mem>>
      %dma_start3A_43 = arith.constant 0 : i32
      %dma_start3A_44 = tpu.memref_slice %arg16[%mul3A_2, %dma_start3A_43] : memref<10240x64xf32, #tpu.memory_space<vmem_shared>> -> memref<640x64xf32, #tpu.memory_space<vmem_shared>>
      tpu.enqueue_dma source(%arg5 : memref<640x64xf32, #tpu.memory_space<hbm>>) target(%dma_start3A_44 : memref<640x64xf32, #tpu.memory_space<vmem_shared>>) target_semaphore(%run_scoped3A : memref<!tpu.dma_semaphore, #tpu.memory_space<semaphore_mem>>)
      %dma_wait3A_45 = arith.constant 0 : i32
      %dma_wait3A_46 = tpu.memref_slice %arg16[%mul3A_2, %dma_wait3A_45] : memref<10240x64xf32, #tpu.memory_space<vmem_shared>> -> memref<640x64xf32, #tpu.memory_space<vmem_shared>>
      tpu.wait_dma2 semaphore(%run_scoped3A : memref<!tpu.dma_semaphore, #tpu.memory_space<semaphore_mem>>) src(%arg5 : memref<640x64xf32, #tpu.memory_space<hbm>>) dst(%dma_wait3A_46 : memref<640x64xf32, #tpu.memory_space<vmem_shared>>)
      tpu.yield
    }) : () -> ()
    %mul3A_3 = arith.constant 640 : i32
    %mul3A_4 = arith.muli %arg1, %mul3A_3 : i32
    "tpu.region"() ({
      %run_scoped3A = tpu.sem_alloc : memref<!tpu.dma_semaphore, #tpu.memory_space<semaphore_mem>>
      %dma_start3A_43 = tpu.memref_slice %arg17[%mul3A_4] : memref<10240xf32, #tpu.memory_space<vmem_shared>> -> memref<640xf32, #tpu.memory_space<vmem_shared>>
      tpu.enqueue_dma source(%arg6 : memref<640xf32, #tpu.memory_space<hbm>>) target(%dma_start3A_43 : memref<640xf32, #tpu.memory_space<vmem_shared>>) target_semaphore(%run_scoped3A : memref<!tpu.dma_semaphore, #tpu.memory_space<semaphore_mem>>)
      %dma_wait3A_44 = tpu.memref_slice %arg17[%mul3A_4] : memref<10240xf32, #tpu.memory_space<vmem_shared>> -> memref<640xf32, #tpu.memory_space<vmem_shared>>
      tpu.wait_dma2 semaphore(%run_scoped3A : memref<!tpu.dma_semaphore, #tpu.memory_space<semaphore_mem>>) src(%arg6 : memref<640xf32, #tpu.memory_space<hbm>>) dst(%dma_wait3A_44 : memref<640xf32, #tpu.memory_space<vmem_shared>>)
      tpu.yield
    }) : () -> ()
    %barrier3A = arith.constant 0 : index
    tpu.barrier barrier_id(%barrier3A)
    %dma_start3A = arith.constant 0 : i32
    %dma_start3A_5 = arith.constant 0 : i32
    %dma_start3A_6 = tpu.memref_slice %arg10[%dma_start3A, %dma_start3A_5] : memref<40x256xi32, #tpu.memory_space<vmem>> -> memref<1x256xi32, #tpu.memory_space<vmem>>
    %dma_start3A_7 = tpu.memref_squeeze %dma_start3A_6 : memref<1x256xi32, #tpu.memory_space<vmem>> -> memref<256xi32, #tpu.memory_space<vmem>>
    %dma_start3A_8 = arith.constant 0 : i32
    %dma_start3A_9 = arith.constant 0 : i32
    %dma_start3A_10 = tpu.memref_slice %arg4[%dma_start3A_8, %dma_start3A_9] : memref<10000x64xf32, #tpu.memory_space<hbm>> -> memref<10000x64xf32, #tpu.memory_space<hbm>>
    tpu.enqueue_indirect_dma source(%dma_start3A_10 : memref<10000x64xf32, #tpu.memory_space<hbm>>) target(%arg12 : memref<256x64xf32, #tpu.memory_space<vmem>>) offsets(%dma_start3A_7 : memref<256xi32, #tpu.memory_space<vmem>>) semaphore(%arg19 : memref<!tpu.dma_semaphore, #tpu.memory_space<semaphore_mem>>)
    %dma_start3A_11 = arith.constant 1 : i32
    %dma_start3A_12 = arith.constant 0 : i32
    %dma_start3A_13 = tpu.memref_slice %arg10[%dma_start3A_11, %dma_start3A_12] : memref<40x256xi32, #tpu.memory_space<vmem>> -> memref<1x256xi32, #tpu.memory_space<vmem>>
    %dma_start3A_14 = tpu.memref_squeeze %dma_start3A_13 : memref<1x256xi32, #tpu.memory_space<vmem>> -> memref<256xi32, #tpu.memory_space<vmem>>
    %dma_start3A_15 = arith.constant 0 : i32
    %dma_start3A_16 = arith.constant 0 : i32
    %dma_start3A_17 = tpu.memref_slice %arg4[%dma_start3A_15, %dma_start3A_16] : memref<10000x64xf32, #tpu.memory_space<hbm>> -> memref<10000x64xf32, #tpu.memory_space<hbm>>
    tpu.enqueue_indirect_dma source(%dma_start3A_17 : memref<10000x64xf32, #tpu.memory_space<hbm>>) target(%arg13 : memref<256x64xf32, #tpu.memory_space<vmem>>) offsets(%dma_start3A_14 : memref<256xi32, #tpu.memory_space<vmem>>) semaphore(%arg20 : memref<!tpu.dma_semaphore, #tpu.memory_space<semaphore_mem>>)
    %scan3A = arith.constant 0 : i32
    %scan3A_18 = arith.constant 0 : i32
    %scan3A_19 = arith.constant 10 : i32
    %scan3A_20 = arith.addi %scan3A_18, %scan3A_19 : i32
    %scan3A_21 = arith.constant 1 : i32
    scf.for %scan3A_43 = %scan3A_18 to %scan3A_20 step %scan3A_21  : i32 {
      %mul3A_44 = arith.constant 4 : i32
      %mul3A_45 = arith.muli %mul3A_44, %scan3A_43 : i32
      %add3A_46 = arith.constant 0 : i32
      %add3A_47 = arith.addi %mul3A_45, %add3A_46 : i32
      %ge3A = arith.constant 2 : i32
      %ge3A_48 = arith.cmpi sge, %add3A_47, %ge3A : i32
      %convert_element_type3A_49 = arith.extui %ge3A_48 : i1 to i32
      %cond3A_50 = arith.constant 0 : i32
      %cond3A_51 = arith.cmpi ne, %convert_element_type3A_49, %cond3A_50 : i32
      scf.if %cond3A_51 {
        %sub3A = arith.constant 2 : i32
        %sub3A_155 = arith.subi %add3A_47, %sub3A : i32
        %dma_wait3A_156 = arith.constant 0 : i32
        %dma_wait3A_157 = tpu.memref_slice %arg11[%sub3A_155, %dma_wait3A_156] : memref<40x256xi32, #tpu.memory_space<vmem>> -> memref<1x256xi32, #tpu.memory_space<vmem>>
        %dma_wait3A_158 = tpu.memref_squeeze %dma_wait3A_157 : memref<1x256xi32, #tpu.memory_space<vmem>> -> memref<256xi32, #tpu.memory_space<vmem>>
        %dma_wait3A_159 = arith.constant 0 : i32
        %dma_wait3A_160 = arith.constant 0 : i32
        %dma_wait3A_161 = tpu.memref_slice %arg16[%dma_wait3A_159, %dma_wait3A_160] : memref<10240x64xf32, #tpu.memory_space<vmem_shared>> -> memref<10240x64xf32, #tpu.memory_space<vmem_shared>>
        tpu.wait_indirect_dma semaphore(%arg25 : memref<!tpu.dma_semaphore, #tpu.memory_space<semaphore_mem>>) src(%arg14 : memref<256x64xf32, #tpu.memory_space<vmem>>) dst(%dma_wait3A_161 : memref<10240x64xf32, #tpu.memory_space<vmem_shared>>)
      } else {
      }
      %add3A_52 = arith.constant 2 : i32
      %add3A_53 = arith.addi %add3A_47, %add3A_52 : i32
      %lt3A_54 = arith.constant 40 : i32
      %lt3A_55 = arith.cmpi slt, %add3A_53, %lt3A_54 : i32
      %convert_element_type3A_56 = arith.extui %lt3A_55 : i1 to i32
      %cond3A_57 = arith.constant 0 : i32
      %cond3A_58 = arith.cmpi ne, %convert_element_type3A_56, %cond3A_57 : i32
      scf.if %cond3A_58 {
        %add3A_155 = arith.constant 2 : i32
        %add3A_156 = arith.addi %add3A_47, %add3A_155 : i32
        %dma_start3A_157 = arith.constant 0 : i32
        %dma_start3A_158 = tpu.memref_slice %arg10[%add3A_156, %dma_start3A_157] : memref<40x256xi32, #tpu.memory_space<vmem>> -> memref<1x256xi32, #tpu.memory_space<vmem>>
        %dma_start3A_159 = tpu.memref_squeeze %dma_start3A_158 : memref<1x256xi32, #tpu.memory_space<vmem>> -> memref<256xi32, #tpu.memory_space<vmem>>
        %dma_start3A_160 = arith.constant 0 : i32
        %dma_start3A_161 = arith.constant 0 : i32
        %dma_start3A_162 = tpu.memref_slice %arg4[%dma_start3A_160, %dma_start3A_161] : memref<10000x64xf32, #tpu.memory_space<hbm>> -> memref<10000x64xf32, #tpu.memory_space<hbm>>
        tpu.enqueue_indirect_dma source(%dma_start3A_162 : memref<10000x64xf32, #tpu.memory_space<hbm>>) target(%arg14 : memref<256x64xf32, #tpu.memory_space<vmem>>) offsets(%dma_start3A_159 : memref<256xi32, #tpu.memory_space<vmem>>) semaphore(%arg21 : memref<!tpu.dma_semaphore, #tpu.memory_space<semaphore_mem>>)
      } else {
      }
      %dma_wait3A_59 = arith.constant 0 : i32
      %dma_wait3A_60 = tpu.memref_slice %arg10[%add3A_47, %dma_wait3A_59] : memref<40x256xi32, #tpu.memory_space<vmem>> -> memref<1x256xi32, #tpu.memory_space<vmem>>
      %dma_wait3A_61 = tpu.memref_squeeze %dma_wait3A_60 : memref<1x256xi32, #tpu.memory_space<vmem>> -> memref<256xi32, #tpu.memory_space<vmem>>
      %dma_wait3A_62 = arith.constant 0 : i32
      %dma_wait3A_63 = arith.constant 0 : i32
      %dma_wait3A_64 = tpu.memref_slice %arg4[%dma_wait3A_62, %dma_wait3A_63] : memref<10000x64xf32, #tpu.memory_space<hbm>> -> memref<10000x64xf32, #tpu.memory_space<hbm>>
      tpu.wait_indirect_dma semaphore(%arg19 : memref<!tpu.dma_semaphore, #tpu.memory_space<semaphore_mem>>) src(%dma_wait3A_64 : memref<10000x64xf32, #tpu.memory_space<hbm>>) dst(%arg12 : memref<256x64xf32, #tpu.memory_space<vmem>>)
      %dma_start3A_65 = arith.constant 0 : i32
      %dma_start3A_66 = tpu.memref_slice %arg11[%add3A_47, %dma_start3A_65] : memref<40x256xi32, #tpu.memory_space<vmem>> -> memref<1x256xi32, #tpu.memory_space<vmem>>
      %dma_start3A_67 = tpu.memref_squeeze %dma_start3A_66 : memref<1x256xi32, #tpu.memory_space<vmem>> -> memref<256xi32, #tpu.memory_space<vmem>>
      %dma_start3A_68 = arith.constant 0 : i32
      %dma_start3A_69 = arith.constant 0 : i32
      %dma_start3A_70 = tpu.memref_slice %arg16[%dma_start3A_68, %dma_start3A_69] : memref<10240x64xf32, #tpu.memory_space<vmem_shared>> -> memref<10240x64xf32, #tpu.memory_space<vmem_shared>>
      tpu.enqueue_indirect_dma source(%arg12 : memref<256x64xf32, #tpu.memory_space<vmem>>) target(%dma_start3A_70 : memref<10240x64xf32, #tpu.memory_space<vmem_shared>>) offsets(%dma_start3A_67 : memref<256xi32, #tpu.memory_space<vmem>>) semaphore(%arg23 : memref<!tpu.dma_semaphore, #tpu.memory_space<semaphore_mem>>) {add = true}
      "tpu.region"() ({
        %run_scoped3A = tpu.sem_alloc : memref<!tpu.dma_semaphore, #tpu.memory_space<semaphore_mem>>
        %dma_start3A_155 = arith.constant 0 : i32
        %dma_start3A_156 = tpu.memref_slice %arg11[%add3A_47, %dma_start3A_155] : memref<40x256xi32, #tpu.memory_space<vmem>> -> memref<1x256xi32, #tpu.memory_space<vmem>>
        %dma_start3A_157 = tpu.memref_squeeze %dma_start3A_156 : memref<1x256xi32, #tpu.memory_space<vmem>> -> memref<256xi32, #tpu.memory_space<vmem>>
        %dma_start3A_158 = arith.constant 0 : i32
        %dma_start3A_159 = tpu.memref_slice %arg17[%dma_start3A_158] : memref<10240xf32, #tpu.memory_space<vmem_shared>> -> memref<10240xf32, #tpu.memory_space<vmem_shared>>
        tpu.enqueue_indirect_dma source(%arg18 : memref<256xf32, #tpu.memory_space<vmem>>) target(%dma_start3A_159 : memref<10240xf32, #tpu.memory_space<vmem_shared>>) offsets(%dma_start3A_157 : memref<256xi32, #tpu.memory_space<vmem>>) semaphore(%run_scoped3A : memref<!tpu.dma_semaphore, #tpu.memory_space<semaphore_mem>>) {add = true}
        %dma_wait3A_160 = arith.constant 0 : i32
        %dma_wait3A_161 = tpu.memref_slice %arg11[%add3A_47, %dma_wait3A_160] : memref<40x256xi32, #tpu.memory_space<vmem>> -> memref<1x256xi32, #tpu.memory_space<vmem>>
        %dma_wait3A_162 = tpu.memref_squeeze %dma_wait3A_161 : memref<1x256xi32, #tpu.memory_space<vmem>> -> memref<256xi32, #tpu.memory_space<vmem>>
        %dma_wait3A_163 = arith.constant 0 : i32
        %dma_wait3A_164 = tpu.memref_slice %arg17[%dma_wait3A_163] : memref<10240xf32, #tpu.memory_space<vmem_shared>> -> memref<10240xf32, #tpu.memory_space<vmem_shared>>
        tpu.wait_indirect_dma semaphore(%run_scoped3A : memref<!tpu.dma_semaphore, #tpu.memory_space<semaphore_mem>>) src(%arg18 : memref<256xf32, #tpu.memory_space<vmem>>) dst(%dma_wait3A_164 : memref<10240xf32, #tpu.memory_space<vmem_shared>>)
        tpu.yield
      }) : () -> ()
      %mul3A_71 = arith.constant 4 : i32
      %mul3A_72 = arith.muli %mul3A_71, %scan3A_43 : i32
      %add3A_73 = arith.constant 1 : i32
      %add3A_74 = arith.addi %mul3A_72, %add3A_73 : i32
      %ge3A_75 = arith.constant 2 : i32
      %ge3A_76 = arith.cmpi sge, %add3A_74, %ge3A_75 : i32
      %convert_element_type3A_77 = arith.extui %ge3A_76 : i1 to i32
      %cond3A_78 = arith.constant 0 : i32
      %cond3A_79 = arith.cmpi ne, %convert_element_type3A_77, %cond3A_78 : i32
      scf.if %cond3A_79 {
        %sub3A = arith.constant 2 : i32
        %sub3A_155 = arith.subi %add3A_74, %sub3A : i32
        %dma_wait3A_156 = arith.constant 0 : i32
        %dma_wait3A_157 = tpu.memref_slice %arg11[%sub3A_155, %dma_wait3A_156] : memref<40x256xi32, #tpu.memory_space<vmem>> -> memref<1x256xi32, #tpu.memory_space<vmem>>
        %dma_wait3A_158 = tpu.memref_squeeze %dma_wait3A_157 : memref<1x256xi32, #tpu.memory_space<vmem>> -> memref<256xi32, #tpu.memory_space<vmem>>
        %dma_wait3A_159 = arith.constant 0 : i32
        %dma_wait3A_160 = arith.constant 0 : i32
        %dma_wait3A_161 = tpu.memref_slice %arg16[%dma_wait3A_159, %dma_wait3A_160] : memref<10240x64xf32, #tpu.memory_space<vmem_shared>> -> memref<10240x64xf32, #tpu.memory_space<vmem_shared>>
        tpu.wait_indirect_dma semaphore(%arg26 : memref<!tpu.dma_semaphore, #tpu.memory_space<semaphore_mem>>) src(%arg15 : memref<256x64xf32, #tpu.memory_space<vmem>>) dst(%dma_wait3A_161 : memref<10240x64xf32, #tpu.memory_space<vmem_shared>>)
      } else {
      }
      %add3A_80 = arith.constant 2 : i32
      %add3A_81 = arith.addi %add3A_74, %add3A_80 : i32
      %lt3A_82 = arith.constant 40 : i32
      %lt3A_83 = arith.cmpi slt, %add3A_81, %lt3A_82 : i32
      %convert_element_type3A_84 = arith.extui %lt3A_83 : i1 to i32
      %cond3A_85 = arith.constant 0 : i32
      %cond3A_86 = arith.cmpi ne, %convert_element_type3A_84, %cond3A_85 : i32
      scf.if %cond3A_86 {
        %add3A_155 = arith.constant 2 : i32
        %add3A_156 = arith.addi %add3A_74, %add3A_155 : i32
        %dma_start3A_157 = arith.constant 0 : i32
        %dma_start3A_158 = tpu.memref_slice %arg10[%add3A_156, %dma_start3A_157] : memref<40x256xi32, #tpu.memory_space<vmem>> -> memref<1x256xi32, #tpu.memory_space<vmem>>
        %dma_start3A_159 = tpu.memref_squeeze %dma_start3A_158 : memref<1x256xi32, #tpu.memory_space<vmem>> -> memref<256xi32, #tpu.memory_space<vmem>>
        %dma_start3A_160 = arith.constant 0 : i32
        %dma_start3A_161 = arith.constant 0 : i32
        %dma_start3A_162 = tpu.memref_slice %arg4[%dma_start3A_160, %dma_start3A_161] : memref<10000x64xf32, #tpu.memory_space<hbm>> -> memref<10000x64xf32, #tpu.memory_space<hbm>>
        tpu.enqueue_indirect_dma source(%dma_start3A_162 : memref<10000x64xf32, #tpu.memory_space<hbm>>) target(%arg15 : memref<256x64xf32, #tpu.memory_space<vmem>>) offsets(%dma_start3A_159 : memref<256xi32, #tpu.memory_space<vmem>>) semaphore(%arg22 : memref<!tpu.dma_semaphore, #tpu.memory_space<semaphore_mem>>)
      } else {
      }
      %dma_wait3A_87 = arith.constant 0 : i32
      %dma_wait3A_88 = tpu.memref_slice %arg10[%add3A_74, %dma_wait3A_87] : memref<40x256xi32, #tpu.memory_space<vmem>> -> memref<1x256xi32, #tpu.memory_space<vmem>>
      %dma_wait3A_89 = tpu.memref_squeeze %dma_wait3A_88 : memref<1x256xi32, #tpu.memory_space<vmem>> -> memref<256xi32, #tpu.memory_space<vmem>>
      %dma_wait3A_90 = arith.constant 0 : i32
      %dma_wait3A_91 = arith.constant 0 : i32
      %dma_wait3A_92 = tpu.memref_slice %arg4[%dma_wait3A_90, %dma_wait3A_91] : memref<10000x64xf32, #tpu.memory_space<hbm>> -> memref<10000x64xf32, #tpu.memory_space<hbm>>
      tpu.wait_indirect_dma semaphore(%arg20 : memref<!tpu.dma_semaphore, #tpu.memory_space<semaphore_mem>>) src(%dma_wait3A_92 : memref<10000x64xf32, #tpu.memory_space<hbm>>) dst(%arg13 : memref<256x64xf32, #tpu.memory_space<vmem>>)
      %dma_start3A_93 = arith.constant 0 : i32
      %dma_start3A_94 = tpu.memref_slice %arg11[%add3A_74, %dma_start3A_93] : memref<40x256xi32, #tpu.memory_space<vmem>> -> memref<1x256xi32, #tpu.memory_space<vmem>>
      %dma_start3A_95 = tpu.memref_squeeze %dma_start3A_94 : memref<1x256xi32, #tpu.memory_space<vmem>> -> memref<256xi32, #tpu.memory_space<vmem>>
      %dma_start3A_96 = arith.constant 0 : i32
      %dma_start3A_97 = arith.constant 0 : i32
      %dma_start3A_98 = tpu.memref_slice %arg16[%dma_start3A_96, %dma_start3A_97] : memref<10240x64xf32, #tpu.memory_space<vmem_shared>> -> memref<10240x64xf32, #tpu.memory_space<vmem_shared>>
      tpu.enqueue_indirect_dma source(%arg13 : memref<256x64xf32, #tpu.memory_space<vmem>>) target(%dma_start3A_98 : memref<10240x64xf32, #tpu.memory_space<vmem_shared>>) offsets(%dma_start3A_95 : memref<256xi32, #tpu.memory_space<vmem>>) semaphore(%arg24 : memref<!tpu.dma_semaphore, #tpu.memory_space<semaphore_mem>>) {add = true}
      "tpu.region"() ({
        %run_scoped3A = tpu.sem_alloc : memref<!tpu.dma_semaphore, #tpu.memory_space<semaphore_mem>>
        %dma_start3A_155 = arith.constant 0 : i32
        %dma_start3A_156 = tpu.memref_slice %arg11[%add3A_74, %dma_start3A_155] : memref<40x256xi32, #tpu.memory_space<vmem>> -> memref<1x256xi32, #tpu.memory_space<vmem>>
        %dma_start3A_157 = tpu.memref_squeeze %dma_start3A_156 : memref<1x256xi32, #tpu.memory_space<vmem>> -> memref<256xi32, #tpu.memory_space<vmem>>
        %dma_start3A_158 = arith.constant 0 : i32
        %dma_start3A_159 = tpu.memref_slice %arg17[%dma_start3A_158] : memref<10240xf32, #tpu.memory_space<vmem_shared>> -> memref<10240xf32, #tpu.memory_space<vmem_shared>>
        tpu.enqueue_indirect_dma source(%arg18 : memref<256xf32, #tpu.memory_space<vmem>>) target(%dma_start3A_159 : memref<10240xf32, #tpu.memory_space<vmem_shared>>) offsets(%dma_start3A_157 : memref<256xi32, #tpu.memory_space<vmem>>) semaphore(%run_scoped3A : memref<!tpu.dma_semaphore, #tpu.memory_space<semaphore_mem>>) {add = true}
        %dma_wait3A_160 = arith.constant 0 : i32
        %dma_wait3A_161 = tpu.memref_slice %arg11[%add3A_74, %dma_wait3A_160] : memref<40x256xi32, #tpu.memory_space<vmem>> -> memref<1x256xi32, #tpu.memory_space<vmem>>
        %dma_wait3A_162 = tpu.memref_squeeze %dma_wait3A_161 : memref<1x256xi32, #tpu.memory_space<vmem>> -> memref<256xi32, #tpu.memory_space<vmem>>
        %dma_wait3A_163 = arith.constant 0 : i32
        %dma_wait3A_164 = tpu.memref_slice %arg17[%dma_wait3A_163] : memref<10240xf32, #tpu.memory_space<vmem_shared>> -> memref<10240xf32, #tpu.memory_space<vmem_shared>>
        tpu.wait_indirect_dma semaphore(%run_scoped3A : memref<!tpu.dma_semaphore, #tpu.memory_space<semaphore_mem>>) src(%arg18 : memref<256xf32, #tpu.memory_space<vmem>>) dst(%dma_wait3A_164 : memref<10240xf32, #tpu.memory_space<vmem_shared>>)
        tpu.yield
      }) : () -> ()
      %mul3A_99 = arith.constant 4 : i32
      %mul3A_100 = arith.muli %mul3A_99, %scan3A_43 : i32
      %add3A_101 = arith.constant 2 : i32
      %add3A_102 = arith.addi %mul3A_100, %add3A_101 : i32
      %ge3A_103 = arith.constant 2 : i32
      %ge3A_104 = arith.cmpi sge, %add3A_102, %ge3A_103 : i32
      %convert_element_type3A_105 = arith.extui %ge3A_104 : i1 to i32
      %cond3A_106 = arith.constant 0 : i32
      %cond3A_107 = arith.cmpi ne, %convert_element_type3A_105, %cond3A_106 : i32
      scf.if %cond3A_107 {
        %sub3A = arith.constant 2 : i32
        %sub3A_155 = arith.subi %add3A_102, %sub3A : i32
        %dma_wait3A_156 = arith.constant 0 : i32
        %dma_wait3A_157 = tpu.memref_slice %arg11[%sub3A_155, %dma_wait3A_156] : memref<40x256xi32, #tpu.memory_space<vmem>> -> memref<1x256xi32, #tpu.memory_space<vmem>>
        %dma_wait3A_158 = tpu.memref_squeeze %dma_wait3A_157 : memref<1x256xi32, #tpu.memory_space<vmem>> -> memref<256xi32, #tpu.memory_space<vmem>>
        %dma_wait3A_159 = arith.constant 0 : i32
        %dma_wait3A_160 = arith.constant 0 : i32
        %dma_wait3A_161 = tpu.memref_slice %arg16[%dma_wait3A_159, %dma_wait3A_160] : memref<10240x64xf32, #tpu.memory_space<vmem_shared>> -> memref<10240x64xf32, #tpu.memory_space<vmem_shared>>
        tpu.wait_indirect_dma semaphore(%arg23 : memref<!tpu.dma_semaphore, #tpu.memory_space<semaphore_mem>>) src(%arg12 : memref<256x64xf32, #tpu.memory_space<vmem>>) dst(%dma_wait3A_161 : memref<10240x64xf32, #tpu.memory_space<vmem_shared>>)
      } else {
      }
      %add3A_108 = arith.constant 2 : i32
      %add3A_109 = arith.addi %add3A_102, %add3A_108 : i32
      %lt3A_110 = arith.constant 40 : i32
      %lt3A_111 = arith.cmpi slt, %add3A_109, %lt3A_110 : i32
      %convert_element_type3A_112 = arith.extui %lt3A_111 : i1 to i32
      %cond3A_113 = arith.constant 0 : i32
      %cond3A_114 = arith.cmpi ne, %convert_element_type3A_112, %cond3A_113 : i32
      scf.if %cond3A_114 {
        %add3A_155 = arith.constant 2 : i32
        %add3A_156 = arith.addi %add3A_102, %add3A_155 : i32
        %dma_start3A_157 = arith.constant 0 : i32
        %dma_start3A_158 = tpu.memref_slice %arg10[%add3A_156, %dma_start3A_157] : memref<40x256xi32, #tpu.memory_space<vmem>> -> memref<1x256xi32, #tpu.memory_space<vmem>>
        %dma_start3A_159 = tpu.memref_squeeze %dma_start3A_158 : memref<1x256xi32, #tpu.memory_space<vmem>> -> memref<256xi32, #tpu.memory_space<vmem>>
        %dma_start3A_160 = arith.constant 0 : i32
        %dma_start3A_161 = arith.constant 0 : i32
        %dma_start3A_162 = tpu.memref_slice %arg4[%dma_start3A_160, %dma_start3A_161] : memref<10000x64xf32, #tpu.memory_space<hbm>> -> memref<10000x64xf32, #tpu.memory_space<hbm>>
        tpu.enqueue_indirect_dma source(%dma_start3A_162 : memref<10000x64xf32, #tpu.memory_space<hbm>>) target(%arg12 : memref<256x64xf32, #tpu.memory_space<vmem>>) offsets(%dma_start3A_159 : memref<256xi32, #tpu.memory_space<vmem>>) semaphore(%arg19 : memref<!tpu.dma_semaphore, #tpu.memory_space<semaphore_mem>>)
      } else {
      }
      %dma_wait3A_115 = arith.constant 0 : i32
      %dma_wait3A_116 = tpu.memref_slice %arg10[%add3A_102, %dma_wait3A_115] : memref<40x256xi32, #tpu.memory_space<vmem>> -> memref<1x256xi32, #tpu.memory_space<vmem>>
      %dma_wait3A_117 = tpu.memref_squeeze %dma_wait3A_116 : memref<1x256xi32, #tpu.memory_space<vmem>> -> memref<256xi32, #tpu.memory_space<vmem>>
      %dma_wait3A_118 = arith.constant 0 : i32
      %dma_wait3A_119 = arith.constant 0 : i32
      %dma_wait3A_120 = tpu.memref_slice %arg4[%dma_wait3A_118, %dma_wait3A_119] : memref<10000x64xf32, #tpu.memory_space<hbm>> -> memref<10000x64xf32, #tpu.memory_space<hbm>>
      tpu.wait_indirect_dma semaphore(%arg21 : memref<!tpu.dma_semaphore, #tpu.memory_space<semaphore_mem>>) src(%dma_wait3A_120 : memref<10000x64xf32, #tpu.memory_space<hbm>>) dst(%arg14 : memref<256x64xf32, #tpu.memory_space<vmem>>)
      %dma_start3A_121 = arith.constant 0 : i32
      %dma_start3A_122 = tpu.memref_slice %arg11[%add3A_102, %dma_start3A_121] : memref<40x256xi32, #tpu.memory_space<vmem>> -> memref<1x256xi32, #tpu.memory_space<vmem>>
      %dma_start3A_123 = tpu.memref_squeeze %dma_start3A_122 : memref<1x256xi32, #tpu.memory_space<vmem>> -> memref<256xi32, #tpu.memory_space<vmem>>
      %dma_start3A_124 = arith.constant 0 : i32
      %dma_start3A_125 = arith.constant 0 : i32
      %dma_start3A_126 = tpu.memref_slice %arg16[%dma_start3A_124, %dma_start3A_125] : memref<10240x64xf32, #tpu.memory_space<vmem_shared>> -> memref<10240x64xf32, #tpu.memory_space<vmem_shared>>
      tpu.enqueue_indirect_dma source(%arg14 : memref<256x64xf32, #tpu.memory_space<vmem>>) target(%dma_start3A_126 : memref<10240x64xf32, #tpu.memory_space<vmem_shared>>) offsets(%dma_start3A_123 : memref<256xi32, #tpu.memory_space<vmem>>) semaphore(%arg25 : memref<!tpu.dma_semaphore, #tpu.memory_space<semaphore_mem>>) {add = true}
      "tpu.region"() ({
        %run_scoped3A = tpu.sem_alloc : memref<!tpu.dma_semaphore, #tpu.memory_space<semaphore_mem>>
        %dma_start3A_155 = arith.constant 0 : i32
        %dma_start3A_156 = tpu.memref_slice %arg11[%add3A_102, %dma_start3A_155] : memref<40x256xi32, #tpu.memory_space<vmem>> -> memref<1x256xi32, #tpu.memory_space<vmem>>
        %dma_start3A_157 = tpu.memref_squeeze %dma_start3A_156 : memref<1x256xi32, #tpu.memory_space<vmem>> -> memref<256xi32, #tpu.memory_space<vmem>>
        %dma_start3A_158 = arith.constant 0 : i32
        %dma_start3A_159 = tpu.memref_slice %arg17[%dma_start3A_158] : memref<10240xf32, #tpu.memory_space<vmem_shared>> -> memref<10240xf32, #tpu.memory_space<vmem_shared>>
        tpu.enqueue_indirect_dma source(%arg18 : memref<256xf32, #tpu.memory_space<vmem>>) target(%dma_start3A_159 : memref<10240xf32, #tpu.memory_space<vmem_shared>>) offsets(%dma_start3A_157 : memref<256xi32, #tpu.memory_space<vmem>>) semaphore(%run_scoped3A : memref<!tpu.dma_semaphore, #tpu.memory_space<semaphore_mem>>) {add = true}
        %dma_wait3A_160 = arith.constant 0 : i32
        %dma_wait3A_161 = tpu.memref_slice %arg11[%add3A_102, %dma_wait3A_160] : memref<40x256xi32, #tpu.memory_space<vmem>> -> memref<1x256xi32, #tpu.memory_space<vmem>>
        %dma_wait3A_162 = tpu.memref_squeeze %dma_wait3A_161 : memref<1x256xi32, #tpu.memory_space<vmem>> -> memref<256xi32, #tpu.memory_space<vmem>>
        %dma_wait3A_163 = arith.constant 0 : i32
        %dma_wait3A_164 = tpu.memref_slice %arg17[%dma_wait3A_163] : memref<10240xf32, #tpu.memory_space<vmem_shared>> -> memref<10240xf32, #tpu.memory_space<vmem_shared>>
        tpu.wait_indirect_dma semaphore(%run_scoped3A : memref<!tpu.dma_semaphore, #tpu.memory_space<semaphore_mem>>) src(%arg18 : memref<256xf32, #tpu.memory_space<vmem>>) dst(%dma_wait3A_164 : memref<10240xf32, #tpu.memory_space<vmem_shared>>)
        tpu.yield
      }) : () -> ()
      %mul3A_127 = arith.constant 4 : i32
      %mul3A_128 = arith.muli %mul3A_127, %scan3A_43 : i32
      %add3A_129 = arith.constant 3 : i32
      %add3A_130 = arith.addi %mul3A_128, %add3A_129 : i32
      %ge3A_131 = arith.constant 2 : i32
      %ge3A_132 = arith.cmpi sge, %add3A_130, %ge3A_131 : i32
      %convert_element_type3A_133 = arith.extui %ge3A_132 : i1 to i32
      %cond3A_134 = arith.constant 0 : i32
      %cond3A_135 = arith.cmpi ne, %convert_element_type3A_133, %cond3A_134 : i32
      scf.if %cond3A_135 {
        %sub3A = arith.constant 2 : i32
        %sub3A_155 = arith.subi %add3A_130, %sub3A : i32
        %dma_wait3A_156 = arith.constant 0 : i32
        %dma_wait3A_157 = tpu.memref_slice %arg11[%sub3A_155, %dma_wait3A_156] : memref<40x256xi32, #tpu.memory_space<vmem>> -> memref<1x256xi32, #tpu.memory_space<vmem>>
        %dma_wait3A_158 = tpu.memref_squeeze %dma_wait3A_157 : memref<1x256xi32, #tpu.memory_space<vmem>> -> memref<256xi32, #tpu.memory_space<vmem>>
        %dma_wait3A_159 = arith.constant 0 : i32
        %dma_wait3A_160 = arith.constant 0 : i32
        %dma_wait3A_161 = tpu.memref_slice %arg16[%dma_wait3A_159, %dma_wait3A_160] : memref<10240x64xf32, #tpu.memory_space<vmem_shared>> -> memref<10240x64xf32, #tpu.memory_space<vmem_shared>>
        tpu.wait_indirect_dma semaphore(%arg24 : memref<!tpu.dma_semaphore, #tpu.memory_space<semaphore_mem>>) src(%arg13 : memref<256x64xf32, #tpu.memory_space<vmem>>) dst(%dma_wait3A_161 : memref<10240x64xf32, #tpu.memory_space<vmem_shared>>)
      } else {
      }
      %add3A_136 = arith.constant 2 : i32
      %add3A_137 = arith.addi %add3A_130, %add3A_136 : i32
      %lt3A_138 = arith.constant 40 : i32
      %lt3A_139 = arith.cmpi slt, %add3A_137, %lt3A_138 : i32
      %convert_element_type3A_140 = arith.extui %lt3A_139 : i1 to i32
      %cond3A_141 = arith.constant 0 : i32
      %cond3A_142 = arith.cmpi ne, %convert_element_type3A_140, %cond3A_141 : i32
      scf.if %cond3A_142 {
        %add3A_155 = arith.constant 2 : i32
        %add3A_156 = arith.addi %add3A_130, %add3A_155 : i32
        %dma_start3A_157 = arith.constant 0 : i32
        %dma_start3A_158 = tpu.memref_slice %arg10[%add3A_156, %dma_start3A_157] : memref<40x256xi32, #tpu.memory_space<vmem>> -> memref<1x256xi32, #tpu.memory_space<vmem>>
        %dma_start3A_159 = tpu.memref_squeeze %dma_start3A_158 : memref<1x256xi32, #tpu.memory_space<vmem>> -> memref<256xi32, #tpu.memory_space<vmem>>
        %dma_start3A_160 = arith.constant 0 : i32
        %dma_start3A_161 = arith.constant 0 : i32
        %dma_start3A_162 = tpu.memref_slice %arg4[%dma_start3A_160, %dma_start3A_161] : memref<10000x64xf32, #tpu.memory_space<hbm>> -> memref<10000x64xf32, #tpu.memory_space<hbm>>
        tpu.enqueue_indirect_dma source(%dma_start3A_162 : memref<10000x64xf32, #tpu.memory_space<hbm>>) target(%arg13 : memref<256x64xf32, #tpu.memory_space<vmem>>) offsets(%dma_start3A_159 : memref<256xi32, #tpu.memory_space<vmem>>) semaphore(%arg20 : memref<!tpu.dma_semaphore, #tpu.memory_space<semaphore_mem>>)
      } else {
      }
      %dma_wait3A_143 = arith.constant 0 : i32
      %dma_wait3A_144 = tpu.memref_slice %arg10[%add3A_130, %dma_wait3A_143] : memref<40x256xi32, #tpu.memory_space<vmem>> -> memref<1x256xi32, #tpu.memory_space<vmem>>
      %dma_wait3A_145 = tpu.memref_squeeze %dma_wait3A_144 : memref<1x256xi32, #tpu.memory_space<vmem>> -> memref<256xi32, #tpu.memory_space<vmem>>
      %dma_wait3A_146 = arith.constant 0 : i32
      %dma_wait3A_147 = arith.constant 0 : i32
      %dma_wait3A_148 = tpu.memref_slice %arg4[%dma_wait3A_146, %dma_wait3A_147] : memref<10000x64xf32, #tpu.memory_space<hbm>> -> memref<10000x64xf32, #tpu.memory_space<hbm>>
      tpu.wait_indirect_dma semaphore(%arg22 : memref<!tpu.dma_semaphore, #tpu.memory_space<semaphore_mem>>) src(%dma_wait3A_148 : memref<10000x64xf32, #tpu.memory_space<hbm>>) dst(%arg15 : memref<256x64xf32, #tpu.memory_space<vmem>>)
      %dma_start3A_149 = arith.constant 0 : i32
      %dma_start3A_150 = tpu.memref_slice %arg11[%add3A_130, %dma_start3A_149] : memref<40x256xi32, #tpu.memory_space<vmem>> -> memref<1x256xi32, #tpu.memory_space<vmem>>
      %dma_start3A_151 = tpu.memref_squeeze %dma_start3A_150 : memref<1x256xi32, #tpu.memory_space<vmem>> -> memref<256xi32, #tpu.memory_space<vmem>>
      %dma_start3A_152 = arith.constant 0 : i32
      %dma_start3A_153 = arith.constant 0 : i32
      %dma_start3A_154 = tpu.memref_slice %arg16[%dma_start3A_152, %dma_start3A_153] : memref<10240x64xf32, #tpu.memory_space<vmem_shared>> -> memref<10240x64xf32, #tpu.memory_space<vmem_shared>>
      tpu.enqueue_indirect_dma source(%arg15 : memref<256x64xf32, #tpu.memory_space<vmem>>) target(%dma_start3A_154 : memref<10240x64xf32, #tpu.memory_space<vmem_shared>>) offsets(%dma_start3A_151 : memref<256xi32, #tpu.memory_space<vmem>>) semaphore(%arg26 : memref<!tpu.dma_semaphore, #tpu.memory_space<semaphore_mem>>) {add = true}
      "tpu.region"() ({
        %run_scoped3A = tpu.sem_alloc : memref<!tpu.dma_semaphore, #tpu.memory_space<semaphore_mem>>
        %dma_start3A_155 = arith.constant 0 : i32
        %dma_start3A_156 = tpu.memref_slice %arg11[%add3A_130, %dma_start3A_155] : memref<40x256xi32, #tpu.memory_space<vmem>> -> memref<1x256xi32, #tpu.memory_space<vmem>>
        %dma_start3A_157 = tpu.memref_squeeze %dma_start3A_156 : memref<1x256xi32, #tpu.memory_space<vmem>> -> memref<256xi32, #tpu.memory_space<vmem>>
        %dma_start3A_158 = arith.constant 0 : i32
        %dma_start3A_159 = tpu.memref_slice %arg17[%dma_start3A_158] : memref<10240xf32, #tpu.memory_space<vmem_shared>> -> memref<10240xf32, #tpu.memory_space<vmem_shared>>
        tpu.enqueue_indirect_dma source(%arg18 : memref<256xf32, #tpu.memory_space<vmem>>) target(%dma_start3A_159 : memref<10240xf32, #tpu.memory_space<vmem_shared>>) offsets(%dma_start3A_157 : memref<256xi32, #tpu.memory_space<vmem>>) semaphore(%run_scoped3A : memref<!tpu.dma_semaphore, #tpu.memory_space<semaphore_mem>>) {add = true}
        %dma_wait3A_160 = arith.constant 0 : i32
        %dma_wait3A_161 = tpu.memref_slice %arg11[%add3A_130, %dma_wait3A_160] : memref<40x256xi32, #tpu.memory_space<vmem>> -> memref<1x256xi32, #tpu.memory_space<vmem>>
        %dma_wait3A_162 = tpu.memref_squeeze %dma_wait3A_161 : memref<1x256xi32, #tpu.memory_space<vmem>> -> memref<256xi32, #tpu.memory_space<vmem>>
        %dma_wait3A_163 = arith.constant 0 : i32
        %dma_wait3A_164 = tpu.memref_slice %arg17[%dma_wait3A_163] : memref<10240xf32, #tpu.memory_space<vmem_shared>> -> memref<10240xf32, #tpu.memory_space<vmem_shared>>
        tpu.wait_indirect_dma semaphore(%run_scoped3A : memref<!tpu.dma_semaphore, #tpu.memory_space<semaphore_mem>>) src(%arg18 : memref<256xf32, #tpu.memory_space<vmem>>) dst(%dma_wait3A_164 : memref<10240xf32, #tpu.memory_space<vmem_shared>>)
        tpu.yield
      }) : () -> ()
    }
    %scan3A_22 = arith.constant 10 : i32
    %dma_wait3A = arith.constant 38 : i32
    %dma_wait3A_23 = arith.constant 0 : i32
    %dma_wait3A_24 = tpu.memref_slice %arg11[%dma_wait3A, %dma_wait3A_23] : memref<40x256xi32, #tpu.memory_space<vmem>> -> memref<1x256xi32, #tpu.memory_space<vmem>>
    %dma_wait3A_25 = tpu.memref_squeeze %dma_wait3A_24 : memref<1x256xi32, #tpu.memory_space<vmem>> -> memref<256xi32, #tpu.memory_space<vmem>>
    %dma_wait3A_26 = arith.constant 0 : i32
    %dma_wait3A_27 = arith.constant 0 : i32
    %dma_wait3A_28 = tpu.memref_slice %arg16[%dma_wait3A_26, %dma_wait3A_27] : memref<10240x64xf32, #tpu.memory_space<vmem_shared>> -> memref<10240x64xf32, #tpu.memory_space<vmem_shared>>
    tpu.wait_indirect_dma semaphore(%arg25 : memref<!tpu.dma_semaphore, #tpu.memory_space<semaphore_mem>>) src(%arg14 : memref<256x64xf32, #tpu.memory_space<vmem>>) dst(%dma_wait3A_28 : memref<10240x64xf32, #tpu.memory_space<vmem_shared>>)
    %dma_wait3A_29 = arith.constant 39 : i32
    %dma_wait3A_30 = arith.constant 0 : i32
    %dma_wait3A_31 = tpu.memref_slice %arg11[%dma_wait3A_29, %dma_wait3A_30] : memref<40x256xi32, #tpu.memory_space<vmem>> -> memref<1x256xi32, #tpu.memory_space<vmem>>
    %dma_wait3A_32 = tpu.memref_squeeze %dma_wait3A_31 : memref<1x256xi32, #tpu.memory_space<vmem>> -> memref<256xi32, #tpu.memory_space<vmem>>
    %dma_wait3A_33 = arith.constant 0 : i32
    %dma_wait3A_34 = arith.constant 0 : i32
    %dma_wait3A_35 = tpu.memref_slice %arg16[%dma_wait3A_33, %dma_wait3A_34] : memref<10240x64xf32, #tpu.memory_space<vmem_shared>> -> memref<10240x64xf32, #tpu.memory_space<vmem_shared>>
    tpu.wait_indirect_dma semaphore(%arg26 : memref<!tpu.dma_semaphore, #tpu.memory_space<semaphore_mem>>) src(%arg15 : memref<256x64xf32, #tpu.memory_space<vmem>>) dst(%dma_wait3A_35 : memref<10240x64xf32, #tpu.memory_space<vmem_shared>>)
    %barrier3A_36 = arith.constant 0 : index
    tpu.barrier barrier_id(%barrier3A_36)
    %lt3A = arith.constant 15 : i32
    %lt3A_37 = arith.cmpi slt, %arg1, %lt3A : i32
    %convert_element_type3A = arith.extui %lt3A_37 : i1 to i32
    %cond3A = arith.constant 0 : i32
    %cond3A_38 = arith.cmpi ne, %convert_element_type3A, %cond3A : i32
    scf.if %cond3A_38 {
      %mul3A_43 = arith.constant 640 : i32
      %mul3A_44 = arith.muli %arg1, %mul3A_43 : i32
      %mul3A_45 = arith.constant 640 : i32
      %mul3A_46 = arith.muli %arg1, %mul3A_45 : i32
      "tpu.region"() ({
        %run_scoped3A = tpu.sem_alloc : memref<!tpu.dma_semaphore, #tpu.memory_space<semaphore_mem>>
        %dma_start3A_51 = arith.constant 0 : i32
        %dma_start3A_52 = tpu.memref_slice %arg8[%arg0, %mul3A_46, %dma_start3A_51] : memref<2x10000x64xf32, #tpu.memory_space<hbm>> -> memref<1x640x64xf32, #tpu.memory_space<hbm>>
        %dma_start3A_53 = tpu.memref_squeeze %dma_start3A_52 : memref<1x640x64xf32, #tpu.memory_space<hbm>> -> memref<640x64xf32, #tpu.memory_space<hbm>>
        %dma_start3A_54 = arith.constant 0 : i32
        %dma_start3A_55 = tpu.memref_slice %arg16[%mul3A_44, %dma_start3A_54] : memref<10240x64xf32, #tpu.memory_space<vmem_shared>> -> memref<640x64xf32, #tpu.memory_space<vmem_shared>>
        tpu.enqueue_dma source(%dma_start3A_55 : memref<640x64xf32, #tpu.memory_space<vmem_shared>>) target(%dma_start3A_53 : memref<640x64xf32, #tpu.memory_space<hbm>>) target_semaphore(%run_scoped3A : memref<!tpu.dma_semaphore, #tpu.memory_space<semaphore_mem>>)
        %dma_wait3A_56 = arith.constant 0 : i32
        %dma_wait3A_57 = tpu.memref_slice %arg8[%arg0, %mul3A_46, %dma_wait3A_56] : memref<2x10000x64xf32, #tpu.memory_space<hbm>> -> memref<1x640x64xf32, #tpu.memory_space<hbm>>
        %dma_wait3A_58 = tpu.memref_squeeze %dma_wait3A_57 : memref<1x640x64xf32, #tpu.memory_space<hbm>> -> memref<640x64xf32, #tpu.memory_space<hbm>>
        %dma_wait3A_59 = arith.constant 0 : i32
        %dma_wait3A_60 = tpu.memref_slice %arg16[%mul3A_44, %dma_wait3A_59] : memref<10240x64xf32, #tpu.memory_space<vmem_shared>> -> memref<640x64xf32, #tpu.memory_space<vmem_shared>>
        tpu.wait_dma2 semaphore(%run_scoped3A : memref<!tpu.dma_semaphore, #tpu.memory_space<semaphore_mem>>) src(%dma_wait3A_60 : memref<640x64xf32, #tpu.memory_space<vmem_shared>>) dst(%dma_wait3A_58 : memref<640x64xf32, #tpu.memory_space<hbm>>)
        tpu.yield
      }) : () -> ()
      %mul3A_47 = arith.constant 640 : i32
      %mul3A_48 = arith.muli %arg1, %mul3A_47 : i32
      %mul3A_49 = arith.constant 640 : i32
      %mul3A_50 = arith.muli %arg1, %mul3A_49 : i32
      "tpu.region"() ({
        %run_scoped3A = tpu.sem_alloc : memref<!tpu.dma_semaphore, #tpu.memory_space<semaphore_mem>>
        %dma_start3A_51 = tpu.memref_slice %arg9[%arg0, %mul3A_50] : memref<2x10000xf32, #tpu.memory_space<hbm>> -> memref<1x640xf32, #tpu.memory_space<hbm>>
        %dma_start3A_52 = tpu.memref_squeeze %dma_start3A_51 : memref<1x640xf32, #tpu.memory_space<hbm>> -> memref<640xf32, #tpu.memory_space<hbm>>
        %dma_start3A_53 = tpu.memref_slice %arg17[%mul3A_48] : memref<10240xf32, #tpu.memory_space<vmem_shared>> -> memref<640xf32, #tpu.memory_space<vmem_shared>>
        tpu.enqueue_dma source(%dma_start3A_53 : memref<640xf32, #tpu.memory_space<vmem_shared>>) target(%dma_start3A_52 : memref<640xf32, #tpu.memory_space<hbm>>) target_semaphore(%run_scoped3A : memref<!tpu.dma_semaphore, #tpu.memory_space<semaphore_mem>>)
        %dma_wait3A_54 = tpu.memref_slice %arg9[%arg0, %mul3A_50] : memref<2x10000xf32, #tpu.memory_space<hbm>> -> memref<1x640xf32, #tpu.memory_space<hbm>>
        %dma_wait3A_55 = tpu.memref_squeeze %dma_wait3A_54 : memref<1x640xf32, #tpu.memory_space<hbm>> -> memref<640xf32, #tpu.memory_space<hbm>>
        %dma_wait3A_56 = tpu.memref_slice %arg17[%mul3A_48] : memref<10240xf32, #tpu.memory_space<vmem_shared>> -> memref<640xf32, #tpu.memory_space<vmem_shared>>
        tpu.wait_dma2 semaphore(%run_scoped3A : memref<!tpu.dma_semaphore, #tpu.memory_space<semaphore_mem>>) src(%dma_wait3A_56 : memref<640xf32, #tpu.memory_space<vmem_shared>>) dst(%dma_wait3A_55 : memref<640xf32, #tpu.memory_space<hbm>>)
        tpu.yield
      }) : () -> ()
    } else {
    }
    %eq3A = arith.constant 15 : i32
    %eq3A_39 = arith.cmpi eq, %arg1, %eq3A : i32
    %convert_element_type3A_40 = arith.extui %eq3A_39 : i1 to i32
    %cond3A_41 = arith.constant 0 : i32
    %cond3A_42 = arith.cmpi ne, %convert_element_type3A_40, %cond3A_41 : i32
    scf.if %cond3A_42 {
      "tpu.region"() ({
        %run_scoped3A = tpu.sem_alloc : memref<!tpu.dma_semaphore, #tpu.memory_space<semaphore_mem>>
        %dma_start3A_43 = arith.constant 9600 : i32
        %dma_start3A_44 = arith.constant 0 : i32
        %dma_start3A_45 = tpu.memref_slice %arg8[%arg0, %dma_start3A_43, %dma_start3A_44] : memref<2x10000x64xf32, #tpu.memory_space<hbm>> -> memref<1x400x64xf32, #tpu.memory_space<hbm>>
        %dma_start3A_46 = tpu.memref_squeeze %dma_start3A_45 : memref<1x400x64xf32, #tpu.memory_space<hbm>> -> memref<400x64xf32, #tpu.memory_space<hbm>>
        %dma_start3A_47 = arith.constant 9600 : i32
        %dma_start3A_48 = arith.constant 0 : i32
        %dma_start3A_49 = tpu.memref_slice %arg16[%dma_start3A_47, %dma_start3A_48] : memref<10240x64xf32, #tpu.memory_space<vmem_shared>> -> memref<400x64xf32, #tpu.memory_space<vmem_shared>>
        tpu.enqueue_dma source(%dma_start3A_49 : memref<400x64xf32, #tpu.memory_space<vmem_shared>>) target(%dma_start3A_46 : memref<400x64xf32, #tpu.memory_space<hbm>>) target_semaphore(%run_scoped3A : memref<!tpu.dma_semaphore, #tpu.memory_space<semaphore_mem>>)
        %dma_wait3A_50 = arith.constant 9600 : i32
        %dma_wait3A_51 = arith.constant 0 : i32
        %dma_wait3A_52 = tpu.memref_slice %arg8[%arg0, %dma_wait3A_50, %dma_wait3A_51] : memref<2x10000x64xf32, #tpu.memory_space<hbm>> -> memref<1x400x64xf32, #tpu.memory_space<hbm>>
        %dma_wait3A_53 = tpu.memref_squeeze %dma_wait3A_52 : memref<1x400x64xf32, #tpu.memory_space<hbm>> -> memref<400x64xf32, #tpu.memory_space<hbm>>
        %dma_wait3A_54 = arith.constant 9600 : i32
        %dma_wait3A_55 = arith.constant 0 : i32
        %dma_wait3A_56 = tpu.memref_slice %arg16[%dma_wait3A_54, %dma_wait3A_55] : memref<10240x64xf32, #tpu.memory_space<vmem_shared>> -> memref<400x64xf32, #tpu.memory_space<vmem_shared>>
        tpu.wait_dma2 semaphore(%run_scoped3A : memref<!tpu.dma_semaphore, #tpu.memory_space<semaphore_mem>>) src(%dma_wait3A_56 : memref<400x64xf32, #tpu.memory_space<vmem_shared>>) dst(%dma_wait3A_53 : memref<400x64xf32, #tpu.memory_space<hbm>>)
        tpu.yield
      }) : () -> ()
      "tpu.region"() ({
        %run_scoped3A = tpu.sem_alloc : memref<!tpu.dma_semaphore, #tpu.memory_space<semaphore_mem>>
        %dma_start3A_43 = arith.constant 9600 : i32
        %dma_start3A_44 = tpu.memref_slice %arg9[%arg0, %dma_start3A_43] : memref<2x10000xf32, #tpu.memory_space<hbm>> -> memref<1x400xf32, #tpu.memory_space<hbm>>
        %dma_start3A_45 = tpu.memref_squeeze %dma_start3A_44 : memref<1x400xf32, #tpu.memory_space<hbm>> -> memref<400xf32, #tpu.memory_space<hbm>>
        %dma_start3A_46 = arith.constant 9600 : i32
        %dma_start3A_47 = tpu.memref_slice %arg17[%dma_start3A_46] : memref<10240xf32, #tpu.memory_space<vmem_shared>> -> memref<400xf32, #tpu.memory_space<vmem_shared>>
        tpu.enqueue_dma source(%dma_start3A_47 : memref<400xf32, #tpu.memory_space<vmem_shared>>) target(%dma_start3A_45 : memref<400xf32, #tpu.memory_space<hbm>>) target_semaphore(%run_scoped3A : memref<!tpu.dma_semaphore, #tpu.memory_space<semaphore_mem>>)
        %dma_wait3A_48 = arith.constant 9600 : i32
        %dma_wait3A_49 = tpu.memref_slice %arg9[%arg0, %dma_wait3A_48] : memref<2x10000xf32, #tpu.memory_space<hbm>> -> memref<1x400xf32, #tpu.memory_space<hbm>>
        %dma_wait3A_50 = tpu.memref_squeeze %dma_wait3A_49 : memref<1x400xf32, #tpu.memory_space<hbm>> -> memref<400xf32, #tpu.memory_space<hbm>>
        %dma_wait3A_51 = arith.constant 9600 : i32
        %dma_wait3A_52 = tpu.memref_slice %arg17[%dma_wait3A_51] : memref<10240xf32, #tpu.memory_space<vmem_shared>> -> memref<400xf32, #tpu.memory_space<vmem_shared>>
        tpu.wait_dma2 semaphore(%run_scoped3A : memref<!tpu.dma_semaphore, #tpu.memory_space<semaphore_mem>>) src(%dma_wait3A_52 : memref<400xf32, #tpu.memory_space<vmem_shared>>) dst(%dma_wait3A_50 : memref<400xf32, #tpu.memory_space<hbm>>)
        tpu.yield
      }) : () -> ()
    } else {
    }
    return
  }
}

#map = affine_map<(d0, d1) -> (0, 0, 0)>
#map1 = affine_map<(d0, d1) -> (0, 0)>
module attributes {stable_mosaic.version = 14 : i64} {
  func.func @body(%arg0: i32, %arg1: i32, %arg2: memref<32x40x256xi32, #tpu.memory_space<hbm>>, %arg3: memref<32x40x256xi32, #tpu.memory_space<hbm>>, %arg4: memref<10000x64xf32, #tpu.memory_space<hbm>>, %arg5: memref<640x64xf32, #tpu.memory_space<hbm>>, %arg6: memref<2x10000x64xf32, #tpu.memory_space<hbm>>, %arg7: memref<40x256xi32, #tpu.memory_space<vmem>>, %arg8: memref<40x256xi32, #tpu.memory_space<vmem>>, %arg9: memref<256x64xf32, #tpu.memory_space<vmem>>, %arg10: memref<256x64xf32, #tpu.memory_space<vmem>>, %arg11: memref<256x64xf32, #tpu.memory_space<vmem>>, %arg12: memref<256x64xf32, #tpu.memory_space<vmem>>, %arg13: memref<10240x64xf32, #tpu.memory_space<vmem_shared>>, %arg14: memref<!tpu.dma_semaphore, #tpu.memory_space<semaphore_mem>>, %arg15: memref<!tpu.dma_semaphore, #tpu.memory_space<semaphore_mem>>, %arg16: memref<!tpu.dma_semaphore, #tpu.memory_space<semaphore_mem>>, %arg17: memref<!tpu.dma_semaphore, #tpu.memory_space<semaphore_mem>>, %arg18: memref<!tpu.dma_semaphore, #tpu.memory_space<semaphore_mem>>, %arg19: memref<!tpu.dma_semaphore, #tpu.memory_space<semaphore_mem>>, %arg20: memref<!tpu.dma_semaphore, #tpu.memory_space<semaphore_mem>>, %arg21: memref<!tpu.dma_semaphore, #tpu.memory_space<semaphore_mem>>) attributes {dimension_semantics = [#tpu.dimension_semantics<core_parallel>, #tpu.dimension_semantics<subcore_parallel>], iteration_bounds = array<i64: 2, 16>, scalar_prefetch = 0 : i64, scratch_operands = 15 : i64, tpu.core_type = #tpu.core_type<sc_vector_subcore>, window_params = [{transform_indices = #map}, {transform_indices = #map}, {transform_indices = #map1}, {transform_indices = #map1}, {transform_indices = #map}]} {
    %mul3A = arith.constant 16 : i32
    %mul3A_0 = arith.muli %arg0, %mul3A : i32
    %add3A = arith.addi %mul3A_0, %arg1 : i32
    "tpu.region"() ({
      %run_scoped3A = tpu.sem_alloc : memref<!tpu.dma_semaphore, #tpu.memory_space<semaphore_mem>>
      %dma_start3A_41 = arith.constant 0 : i32
      %dma_start3A_42 = arith.constant 0 : i32
      %dma_start3A_43 = tpu.memref_slice %arg2[%add3A, %dma_start3A_41, %dma_start3A_42] : memref<32x40x256xi32, #tpu.memory_space<hbm>> -> memref<1x40x256xi32, #tpu.memory_space<hbm>>
      %dma_start3A_44 = tpu.memref_squeeze %dma_start3A_43 : memref<1x40x256xi32, #tpu.memory_space<hbm>> -> memref<40x256xi32, #tpu.memory_space<hbm>>
      %dma_start3A_45 = arith.constant 0 : i32
      %dma_start3A_46 = arith.constant 0 : i32
      %dma_start3A_47 = tpu.memref_slice %arg2[%add3A, %dma_start3A_45, %dma_start3A_46] : memref<32x40x256xi32, #tpu.memory_space<hbm>> -> memref<1x40x256xi32, #tpu.memory_space<hbm>>
      %dma_start3A_48 = tpu.memref_squeeze %dma_start3A_47 : memref<1x40x256xi32, #tpu.memory_space<hbm>> -> memref<40x256xi32, #tpu.memory_space<hbm>>
      tpu.enqueue_dma source(%dma_start3A_48 : memref<40x256xi32, #tpu.memory_space<hbm>>) target(%arg7 : memref<40x256xi32, #tpu.memory_space<vmem>>) target_semaphore(%run_scoped3A : memref<!tpu.dma_semaphore, #tpu.memory_space<semaphore_mem>>)
      %dma_wait3A_49 = arith.constant 0 : i32
      %dma_wait3A_50 = arith.constant 0 : i32
      %dma_wait3A_51 = tpu.memref_slice %arg2[%add3A, %dma_wait3A_49, %dma_wait3A_50] : memref<32x40x256xi32, #tpu.memory_space<hbm>> -> memref<1x40x256xi32, #tpu.memory_space<hbm>>
      %dma_wait3A_52 = tpu.memref_squeeze %dma_wait3A_51 : memref<1x40x256xi32, #tpu.memory_space<hbm>> -> memref<40x256xi32, #tpu.memory_space<hbm>>
      %dma_wait3A_53 = arith.constant 0 : i32
      %dma_wait3A_54 = arith.constant 0 : i32
      %dma_wait3A_55 = tpu.memref_slice %arg2[%add3A, %dma_wait3A_53, %dma_wait3A_54] : memref<32x40x256xi32, #tpu.memory_space<hbm>> -> memref<1x40x256xi32, #tpu.memory_space<hbm>>
      %dma_wait3A_56 = tpu.memref_squeeze %dma_wait3A_55 : memref<1x40x256xi32, #tpu.memory_space<hbm>> -> memref<40x256xi32, #tpu.memory_space<hbm>>
      tpu.wait_dma2 semaphore(%run_scoped3A : memref<!tpu.dma_semaphore, #tpu.memory_space<semaphore_mem>>) src(%dma_wait3A_56 : memref<40x256xi32, #tpu.memory_space<hbm>>) dst(%arg7 : memref<40x256xi32, #tpu.memory_space<vmem>>)
      tpu.yield
    }) : () -> ()
    "tpu.region"() ({
      %run_scoped3A = tpu.sem_alloc : memref<!tpu.dma_semaphore, #tpu.memory_space<semaphore_mem>>
      %dma_start3A_41 = arith.constant 0 : i32
      %dma_start3A_42 = arith.constant 0 : i32
      %dma_start3A_43 = tpu.memref_slice %arg3[%add3A, %dma_start3A_41, %dma_start3A_42] : memref<32x40x256xi32, #tpu.memory_space<hbm>> -> memref<1x40x256xi32, #tpu.memory_space<hbm>>
      %dma_start3A_44 = tpu.memref_squeeze %dma_start3A_43 : memref<1x40x256xi32, #tpu.memory_space<hbm>> -> memref<40x256xi32, #tpu.memory_space<hbm>>
      %dma_start3A_45 = arith.constant 0 : i32
      %dma_start3A_46 = arith.constant 0 : i32
      %dma_start3A_47 = tpu.memref_slice %arg3[%add3A, %dma_start3A_45, %dma_start3A_46] : memref<32x40x256xi32, #tpu.memory_space<hbm>> -> memref<1x40x256xi32, #tpu.memory_space<hbm>>
      %dma_start3A_48 = tpu.memref_squeeze %dma_start3A_47 : memref<1x40x256xi32, #tpu.memory_space<hbm>> -> memref<40x256xi32, #tpu.memory_space<hbm>>
      tpu.enqueue_dma source(%dma_start3A_48 : memref<40x256xi32, #tpu.memory_space<hbm>>) target(%arg8 : memref<40x256xi32, #tpu.memory_space<vmem>>) target_semaphore(%run_scoped3A : memref<!tpu.dma_semaphore, #tpu.memory_space<semaphore_mem>>)
      %dma_wait3A_49 = arith.constant 0 : i32
      %dma_wait3A_50 = arith.constant 0 : i32
      %dma_wait3A_51 = tpu.memref_slice %arg3[%add3A, %dma_wait3A_49, %dma_wait3A_50] : memref<32x40x256xi32, #tpu.memory_space<hbm>> -> memref<1x40x256xi32, #tpu.memory_space<hbm>>
      %dma_wait3A_52 = tpu.memref_squeeze %dma_wait3A_51 : memref<1x40x256xi32, #tpu.memory_space<hbm>> -> memref<40x256xi32, #tpu.memory_space<hbm>>
      %dma_wait3A_53 = arith.constant 0 : i32
      %dma_wait3A_54 = arith.constant 0 : i32
      %dma_wait3A_55 = tpu.memref_slice %arg3[%add3A, %dma_wait3A_53, %dma_wait3A_54] : memref<32x40x256xi32, #tpu.memory_space<hbm>> -> memref<1x40x256xi32, #tpu.memory_space<hbm>>
      %dma_wait3A_56 = tpu.memref_squeeze %dma_wait3A_55 : memref<1x40x256xi32, #tpu.memory_space<hbm>> -> memref<40x256xi32, #tpu.memory_space<hbm>>
      tpu.wait_dma2 semaphore(%run_scoped3A : memref<!tpu.dma_semaphore, #tpu.memory_space<semaphore_mem>>) src(%dma_wait3A_56 : memref<40x256xi32, #tpu.memory_space<hbm>>) dst(%arg8 : memref<40x256xi32, #tpu.memory_space<vmem>>)
      tpu.yield
    }) : () -> ()
    %mul3A_1 = arith.constant 640 : i32
    %mul3A_2 = arith.muli %arg1, %mul3A_1 : i32
    "tpu.region"() ({
      %run_scoped3A = tpu.sem_alloc : memref<!tpu.dma_semaphore, #tpu.memory_space<semaphore_mem>>
      %dma_start3A_41 = arith.constant 0 : i32
      %dma_start3A_42 = tpu.memref_slice %arg13[%mul3A_2, %dma_start3A_41] : memref<10240x64xf32, #tpu.memory_space<vmem_shared>> -> memref<640x64xf32, #tpu.memory_space<vmem_shared>>
      tpu.enqueue_dma source(%arg5 : memref<640x64xf32, #tpu.memory_space<hbm>>) target(%dma_start3A_42 : memref<640x64xf32, #tpu.memory_space<vmem_shared>>) target_semaphore(%run_scoped3A : memref<!tpu.dma_semaphore, #tpu.memory_space<semaphore_mem>>)
      %dma_wait3A_43 = arith.constant 0 : i32
      %dma_wait3A_44 = tpu.memref_slice %arg13[%mul3A_2, %dma_wait3A_43] : memref<10240x64xf32, #tpu.memory_space<vmem_shared>> -> memref<640x64xf32, #tpu.memory_space<vmem_shared>>
      tpu.wait_dma2 semaphore(%run_scoped3A : memref<!tpu.dma_semaphore, #tpu.memory_space<semaphore_mem>>) src(%arg5 : memref<640x64xf32, #tpu.memory_space<hbm>>) dst(%dma_wait3A_44 : memref<640x64xf32, #tpu.memory_space<vmem_shared>>)
      tpu.yield
    }) : () -> ()
    %barrier3A = arith.constant 0 : index
    tpu.barrier barrier_id(%barrier3A)
    %dma_start3A = arith.constant 0 : i32
    %dma_start3A_3 = arith.constant 0 : i32
    %dma_start3A_4 = tpu.memref_slice %arg7[%dma_start3A, %dma_start3A_3] : memref<40x256xi32, #tpu.memory_space<vmem>> -> memref<1x256xi32, #tpu.memory_space<vmem>>
    %dma_start3A_5 = tpu.memref_squeeze %dma_start3A_4 : memref<1x256xi32, #tpu.memory_space<vmem>> -> memref<256xi32, #tpu.memory_space<vmem>>
    %dma_start3A_6 = arith.constant 0 : i32
    %dma_start3A_7 = arith.constant 0 : i32
    %dma_start3A_8 = tpu.memref_slice %arg4[%dma_start3A_6, %dma_start3A_7] : memref<10000x64xf32, #tpu.memory_space<hbm>> -> memref<10000x64xf32, #tpu.memory_space<hbm>>
    tpu.enqueue_indirect_dma source(%dma_start3A_8 : memref<10000x64xf32, #tpu.memory_space<hbm>>) target(%arg9 : memref<256x64xf32, #tpu.memory_space<vmem>>) offsets(%dma_start3A_5 : memref<256xi32, #tpu.memory_space<vmem>>) semaphore(%arg14 : memref<!tpu.dma_semaphore, #tpu.memory_space<semaphore_mem>>)
    %dma_start3A_9 = arith.constant 1 : i32
    %dma_start3A_10 = arith.constant 0 : i32
    %dma_start3A_11 = tpu.memref_slice %arg7[%dma_start3A_9, %dma_start3A_10] : memref<40x256xi32, #tpu.memory_space<vmem>> -> memref<1x256xi32, #tpu.memory_space<vmem>>
    %dma_start3A_12 = tpu.memref_squeeze %dma_start3A_11 : memref<1x256xi32, #tpu.memory_space<vmem>> -> memref<256xi32, #tpu.memory_space<vmem>>
    %dma_start3A_13 = arith.constant 0 : i32
    %dma_start3A_14 = arith.constant 0 : i32
    %dma_start3A_15 = tpu.memref_slice %arg4[%dma_start3A_13, %dma_start3A_14] : memref<10000x64xf32, #tpu.memory_space<hbm>> -> memref<10000x64xf32, #tpu.memory_space<hbm>>
    tpu.enqueue_indirect_dma source(%dma_start3A_15 : memref<10000x64xf32, #tpu.memory_space<hbm>>) target(%arg10 : memref<256x64xf32, #tpu.memory_space<vmem>>) offsets(%dma_start3A_12 : memref<256xi32, #tpu.memory_space<vmem>>) semaphore(%arg15 : memref<!tpu.dma_semaphore, #tpu.memory_space<semaphore_mem>>)
    %scan3A = arith.constant 0 : i32
    %scan3A_16 = arith.constant 0 : i32
    %scan3A_17 = arith.constant 10 : i32
    %scan3A_18 = arith.addi %scan3A_16, %scan3A_17 : i32
    %scan3A_19 = arith.constant 1 : i32
    scf.for %scan3A_41 = %scan3A_16 to %scan3A_18 step %scan3A_19  : i32 {
      %mul3A_42 = arith.constant 4 : i32
      %mul3A_43 = arith.muli %mul3A_42, %scan3A_41 : i32
      %add3A_44 = arith.constant 0 : i32
      %add3A_45 = arith.addi %mul3A_43, %add3A_44 : i32
      %ge3A = arith.constant 2 : i32
      %ge3A_46 = arith.cmpi sge, %add3A_45, %ge3A : i32
      %convert_element_type3A_47 = arith.extui %ge3A_46 : i1 to i32
      %cond3A_48 = arith.constant 0 : i32
      %cond3A_49 = arith.cmpi ne, %convert_element_type3A_47, %cond3A_48 : i32
      scf.if %cond3A_49 {
        %sub3A = arith.constant 2 : i32
        %sub3A_153 = arith.subi %add3A_45, %sub3A : i32
        %dma_wait3A_154 = arith.constant 0 : i32
        %dma_wait3A_155 = tpu.memref_slice %arg8[%sub3A_153, %dma_wait3A_154] : memref<40x256xi32, #tpu.memory_space<vmem>> -> memref<1x256xi32, #tpu.memory_space<vmem>>
        %dma_wait3A_156 = tpu.memref_squeeze %dma_wait3A_155 : memref<1x256xi32, #tpu.memory_space<vmem>> -> memref<256xi32, #tpu.memory_space<vmem>>
        %dma_wait3A_157 = arith.constant 0 : i32
        %dma_wait3A_158 = arith.constant 0 : i32
        %dma_wait3A_159 = tpu.memref_slice %arg13[%dma_wait3A_157, %dma_wait3A_158] : memref<10240x64xf32, #tpu.memory_space<vmem_shared>> -> memref<10240x64xf32, #tpu.memory_space<vmem_shared>>
        tpu.wait_indirect_dma semaphore(%arg20 : memref<!tpu.dma_semaphore, #tpu.memory_space<semaphore_mem>>) src(%arg11 : memref<256x64xf32, #tpu.memory_space<vmem>>) dst(%dma_wait3A_159 : memref<10240x64xf32, #tpu.memory_space<vmem_shared>>)
      } else {
      }
      %add3A_50 = arith.constant 2 : i32
      %add3A_51 = arith.addi %add3A_45, %add3A_50 : i32
      %lt3A_52 = arith.constant 40 : i32
      %lt3A_53 = arith.cmpi slt, %add3A_51, %lt3A_52 : i32
      %convert_element_type3A_54 = arith.extui %lt3A_53 : i1 to i32
      %cond3A_55 = arith.constant 0 : i32
      %cond3A_56 = arith.cmpi ne, %convert_element_type3A_54, %cond3A_55 : i32
      scf.if %cond3A_56 {
        %add3A_153 = arith.constant 2 : i32
        %add3A_154 = arith.addi %add3A_45, %add3A_153 : i32
        %dma_start3A_155 = arith.constant 0 : i32
        %dma_start3A_156 = tpu.memref_slice %arg7[%add3A_154, %dma_start3A_155] : memref<40x256xi32, #tpu.memory_space<vmem>> -> memref<1x256xi32, #tpu.memory_space<vmem>>
        %dma_start3A_157 = tpu.memref_squeeze %dma_start3A_156 : memref<1x256xi32, #tpu.memory_space<vmem>> -> memref<256xi32, #tpu.memory_space<vmem>>
        %dma_start3A_158 = arith.constant 0 : i32
        %dma_start3A_159 = arith.constant 0 : i32
        %dma_start3A_160 = tpu.memref_slice %arg4[%dma_start3A_158, %dma_start3A_159] : memref<10000x64xf32, #tpu.memory_space<hbm>> -> memref<10000x64xf32, #tpu.memory_space<hbm>>
        tpu.enqueue_indirect_dma source(%dma_start3A_160 : memref<10000x64xf32, #tpu.memory_space<hbm>>) target(%arg11 : memref<256x64xf32, #tpu.memory_space<vmem>>) offsets(%dma_start3A_157 : memref<256xi32, #tpu.memory_space<vmem>>) semaphore(%arg16 : memref<!tpu.dma_semaphore, #tpu.memory_space<semaphore_mem>>)
      } else {
      }
      %dma_wait3A_57 = arith.constant 0 : i32
      %dma_wait3A_58 = tpu.memref_slice %arg7[%add3A_45, %dma_wait3A_57] : memref<40x256xi32, #tpu.memory_space<vmem>> -> memref<1x256xi32, #tpu.memory_space<vmem>>
      %dma_wait3A_59 = tpu.memref_squeeze %dma_wait3A_58 : memref<1x256xi32, #tpu.memory_space<vmem>> -> memref<256xi32, #tpu.memory_space<vmem>>
      %dma_wait3A_60 = arith.constant 0 : i32
      %dma_wait3A_61 = arith.constant 0 : i32
      %dma_wait3A_62 = tpu.memref_slice %arg4[%dma_wait3A_60, %dma_wait3A_61] : memref<10000x64xf32, #tpu.memory_space<hbm>> -> memref<10000x64xf32, #tpu.memory_space<hbm>>
      tpu.wait_indirect_dma semaphore(%arg14 : memref<!tpu.dma_semaphore, #tpu.memory_space<semaphore_mem>>) src(%dma_wait3A_62 : memref<10000x64xf32, #tpu.memory_space<hbm>>) dst(%arg9 : memref<256x64xf32, #tpu.memory_space<vmem>>)
      %dma_start3A_63 = arith.constant 0 : i32
      %dma_start3A_64 = tpu.memref_slice %arg8[%add3A_45, %dma_start3A_63] : memref<40x256xi32, #tpu.memory_space<vmem>> -> memref<1x256xi32, #tpu.memory_space<vmem>>
      %dma_start3A_65 = tpu.memref_squeeze %dma_start3A_64 : memref<1x256xi32, #tpu.memory_space<vmem>> -> memref<256xi32, #tpu.memory_space<vmem>>
      %dma_start3A_66 = arith.constant 0 : i32
      %dma_start3A_67 = arith.constant 0 : i32
      %dma_start3A_68 = tpu.memref_slice %arg13[%dma_start3A_66, %dma_start3A_67] : memref<10240x64xf32, #tpu.memory_space<vmem_shared>> -> memref<10240x64xf32, #tpu.memory_space<vmem_shared>>
      tpu.enqueue_indirect_dma source(%arg9 : memref<256x64xf32, #tpu.memory_space<vmem>>) target(%dma_start3A_68 : memref<10240x64xf32, #tpu.memory_space<vmem_shared>>) offsets(%dma_start3A_65 : memref<256xi32, #tpu.memory_space<vmem>>) semaphore(%arg18 : memref<!tpu.dma_semaphore, #tpu.memory_space<semaphore_mem>>) {add = true}
      %mul3A_69 = arith.constant 4 : i32
      %mul3A_70 = arith.muli %mul3A_69, %scan3A_41 : i32
      %add3A_71 = arith.constant 1 : i32
      %add3A_72 = arith.addi %mul3A_70, %add3A_71 : i32
      %ge3A_73 = arith.constant 2 : i32
      %ge3A_74 = arith.cmpi sge, %add3A_72, %ge3A_73 : i32
      %convert_element_type3A_75 = arith.extui %ge3A_74 : i1 to i32
      %cond3A_76 = arith.constant 0 : i32
      %cond3A_77 = arith.cmpi ne, %convert_element_type3A_75, %cond3A_76 : i32
      scf.if %cond3A_77 {
        %sub3A = arith.constant 2 : i32
        %sub3A_153 = arith.subi %add3A_72, %sub3A : i32
        %dma_wait3A_154 = arith.constant 0 : i32
        %dma_wait3A_155 = tpu.memref_slice %arg8[%sub3A_153, %dma_wait3A_154] : memref<40x256xi32, #tpu.memory_space<vmem>> -> memref<1x256xi32, #tpu.memory_space<vmem>>
        %dma_wait3A_156 = tpu.memref_squeeze %dma_wait3A_155 : memref<1x256xi32, #tpu.memory_space<vmem>> -> memref<256xi32, #tpu.memory_space<vmem>>
        %dma_wait3A_157 = arith.constant 0 : i32
        %dma_wait3A_158 = arith.constant 0 : i32
        %dma_wait3A_159 = tpu.memref_slice %arg13[%dma_wait3A_157, %dma_wait3A_158] : memref<10240x64xf32, #tpu.memory_space<vmem_shared>> -> memref<10240x64xf32, #tpu.memory_space<vmem_shared>>
        tpu.wait_indirect_dma semaphore(%arg21 : memref<!tpu.dma_semaphore, #tpu.memory_space<semaphore_mem>>) src(%arg12 : memref<256x64xf32, #tpu.memory_space<vmem>>) dst(%dma_wait3A_159 : memref<10240x64xf32, #tpu.memory_space<vmem_shared>>)
      } else {
      }
      %add3A_78 = arith.constant 2 : i32
      %add3A_79 = arith.addi %add3A_72, %add3A_78 : i32
      %lt3A_80 = arith.constant 40 : i32
      %lt3A_81 = arith.cmpi slt, %add3A_79, %lt3A_80 : i32
      %convert_element_type3A_82 = arith.extui %lt3A_81 : i1 to i32
      %cond3A_83 = arith.constant 0 : i32
      %cond3A_84 = arith.cmpi ne, %convert_element_type3A_82, %cond3A_83 : i32
      scf.if %cond3A_84 {
        %add3A_153 = arith.constant 2 : i32
        %add3A_154 = arith.addi %add3A_72, %add3A_153 : i32
        %dma_start3A_155 = arith.constant 0 : i32
        %dma_start3A_156 = tpu.memref_slice %arg7[%add3A_154, %dma_start3A_155] : memref<40x256xi32, #tpu.memory_space<vmem>> -> memref<1x256xi32, #tpu.memory_space<vmem>>
        %dma_start3A_157 = tpu.memref_squeeze %dma_start3A_156 : memref<1x256xi32, #tpu.memory_space<vmem>> -> memref<256xi32, #tpu.memory_space<vmem>>
        %dma_start3A_158 = arith.constant 0 : i32
        %dma_start3A_159 = arith.constant 0 : i32
        %dma_start3A_160 = tpu.memref_slice %arg4[%dma_start3A_158, %dma_start3A_159] : memref<10000x64xf32, #tpu.memory_space<hbm>> -> memref<10000x64xf32, #tpu.memory_space<hbm>>
        tpu.enqueue_indirect_dma source(%dma_start3A_160 : memref<10000x64xf32, #tpu.memory_space<hbm>>) target(%arg12 : memref<256x64xf32, #tpu.memory_space<vmem>>) offsets(%dma_start3A_157 : memref<256xi32, #tpu.memory_space<vmem>>) semaphore(%arg17 : memref<!tpu.dma_semaphore, #tpu.memory_space<semaphore_mem>>)
      } else {
      }
      %dma_wait3A_85 = arith.constant 0 : i32
      %dma_wait3A_86 = tpu.memref_slice %arg7[%add3A_72, %dma_wait3A_85] : memref<40x256xi32, #tpu.memory_space<vmem>> -> memref<1x256xi32, #tpu.memory_space<vmem>>
      %dma_wait3A_87 = tpu.memref_squeeze %dma_wait3A_86 : memref<1x256xi32, #tpu.memory_space<vmem>> -> memref<256xi32, #tpu.memory_space<vmem>>
      %dma_wait3A_88 = arith.constant 0 : i32
      %dma_wait3A_89 = arith.constant 0 : i32
      %dma_wait3A_90 = tpu.memref_slice %arg4[%dma_wait3A_88, %dma_wait3A_89] : memref<10000x64xf32, #tpu.memory_space<hbm>> -> memref<10000x64xf32, #tpu.memory_space<hbm>>
      tpu.wait_indirect_dma semaphore(%arg15 : memref<!tpu.dma_semaphore, #tpu.memory_space<semaphore_mem>>) src(%dma_wait3A_90 : memref<10000x64xf32, #tpu.memory_space<hbm>>) dst(%arg10 : memref<256x64xf32, #tpu.memory_space<vmem>>)
      %dma_start3A_91 = arith.constant 0 : i32
      %dma_start3A_92 = tpu.memref_slice %arg8[%add3A_72, %dma_start3A_91] : memref<40x256xi32, #tpu.memory_space<vmem>> -> memref<1x256xi32, #tpu.memory_space<vmem>>
      %dma_start3A_93 = tpu.memref_squeeze %dma_start3A_92 : memref<1x256xi32, #tpu.memory_space<vmem>> -> memref<256xi32, #tpu.memory_space<vmem>>
      %dma_start3A_94 = arith.constant 0 : i32
      %dma_start3A_95 = arith.constant 0 : i32
      %dma_start3A_96 = tpu.memref_slice %arg13[%dma_start3A_94, %dma_start3A_95] : memref<10240x64xf32, #tpu.memory_space<vmem_shared>> -> memref<10240x64xf32, #tpu.memory_space<vmem_shared>>
      tpu.enqueue_indirect_dma source(%arg10 : memref<256x64xf32, #tpu.memory_space<vmem>>) target(%dma_start3A_96 : memref<10240x64xf32, #tpu.memory_space<vmem_shared>>) offsets(%dma_start3A_93 : memref<256xi32, #tpu.memory_space<vmem>>) semaphore(%arg19 : memref<!tpu.dma_semaphore, #tpu.memory_space<semaphore_mem>>) {add = true}
      %mul3A_97 = arith.constant 4 : i32
      %mul3A_98 = arith.muli %mul3A_97, %scan3A_41 : i32
      %add3A_99 = arith.constant 2 : i32
      %add3A_100 = arith.addi %mul3A_98, %add3A_99 : i32
      %ge3A_101 = arith.constant 2 : i32
      %ge3A_102 = arith.cmpi sge, %add3A_100, %ge3A_101 : i32
      %convert_element_type3A_103 = arith.extui %ge3A_102 : i1 to i32
      %cond3A_104 = arith.constant 0 : i32
      %cond3A_105 = arith.cmpi ne, %convert_element_type3A_103, %cond3A_104 : i32
      scf.if %cond3A_105 {
        %sub3A = arith.constant 2 : i32
        %sub3A_153 = arith.subi %add3A_100, %sub3A : i32
        %dma_wait3A_154 = arith.constant 0 : i32
        %dma_wait3A_155 = tpu.memref_slice %arg8[%sub3A_153, %dma_wait3A_154] : memref<40x256xi32, #tpu.memory_space<vmem>> -> memref<1x256xi32, #tpu.memory_space<vmem>>
        %dma_wait3A_156 = tpu.memref_squeeze %dma_wait3A_155 : memref<1x256xi32, #tpu.memory_space<vmem>> -> memref<256xi32, #tpu.memory_space<vmem>>
        %dma_wait3A_157 = arith.constant 0 : i32
        %dma_wait3A_158 = arith.constant 0 : i32
        %dma_wait3A_159 = tpu.memref_slice %arg13[%dma_wait3A_157, %dma_wait3A_158] : memref<10240x64xf32, #tpu.memory_space<vmem_shared>> -> memref<10240x64xf32, #tpu.memory_space<vmem_shared>>
        tpu.wait_indirect_dma semaphore(%arg18 : memref<!tpu.dma_semaphore, #tpu.memory_space<semaphore_mem>>) src(%arg9 : memref<256x64xf32, #tpu.memory_space<vmem>>) dst(%dma_wait3A_159 : memref<10240x64xf32, #tpu.memory_space<vmem_shared>>)
      } else {
      }
      %add3A_106 = arith.constant 2 : i32
      %add3A_107 = arith.addi %add3A_100, %add3A_106 : i32
      %lt3A_108 = arith.constant 40 : i32
      %lt3A_109 = arith.cmpi slt, %add3A_107, %lt3A_108 : i32
      %convert_element_type3A_110 = arith.extui %lt3A_109 : i1 to i32
      %cond3A_111 = arith.constant 0 : i32
      %cond3A_112 = arith.cmpi ne, %convert_element_type3A_110, %cond3A_111 : i32
      scf.if %cond3A_112 {
        %add3A_153 = arith.constant 2 : i32
        %add3A_154 = arith.addi %add3A_100, %add3A_153 : i32
        %dma_start3A_155 = arith.constant 0 : i32
        %dma_start3A_156 = tpu.memref_slice %arg7[%add3A_154, %dma_start3A_155] : memref<40x256xi32, #tpu.memory_space<vmem>> -> memref<1x256xi32, #tpu.memory_space<vmem>>
        %dma_start3A_157 = tpu.memref_squeeze %dma_start3A_156 : memref<1x256xi32, #tpu.memory_space<vmem>> -> memref<256xi32, #tpu.memory_space<vmem>>
        %dma_start3A_158 = arith.constant 0 : i32
        %dma_start3A_159 = arith.constant 0 : i32
        %dma_start3A_160 = tpu.memref_slice %arg4[%dma_start3A_158, %dma_start3A_159] : memref<10000x64xf32, #tpu.memory_space<hbm>> -> memref<10000x64xf32, #tpu.memory_space<hbm>>
        tpu.enqueue_indirect_dma source(%dma_start3A_160 : memref<10000x64xf32, #tpu.memory_space<hbm>>) target(%arg9 : memref<256x64xf32, #tpu.memory_space<vmem>>) offsets(%dma_start3A_157 : memref<256xi32, #tpu.memory_space<vmem>>) semaphore(%arg14 : memref<!tpu.dma_semaphore, #tpu.memory_space<semaphore_mem>>)
      } else {
      }
      %dma_wait3A_113 = arith.constant 0 : i32
      %dma_wait3A_114 = tpu.memref_slice %arg7[%add3A_100, %dma_wait3A_113] : memref<40x256xi32, #tpu.memory_space<vmem>> -> memref<1x256xi32, #tpu.memory_space<vmem>>
      %dma_wait3A_115 = tpu.memref_squeeze %dma_wait3A_114 : memref<1x256xi32, #tpu.memory_space<vmem>> -> memref<256xi32, #tpu.memory_space<vmem>>
      %dma_wait3A_116 = arith.constant 0 : i32
      %dma_wait3A_117 = arith.constant 0 : i32
      %dma_wait3A_118 = tpu.memref_slice %arg4[%dma_wait3A_116, %dma_wait3A_117] : memref<10000x64xf32, #tpu.memory_space<hbm>> -> memref<10000x64xf32, #tpu.memory_space<hbm>>
      tpu.wait_indirect_dma semaphore(%arg16 : memref<!tpu.dma_semaphore, #tpu.memory_space<semaphore_mem>>) src(%dma_wait3A_118 : memref<10000x64xf32, #tpu.memory_space<hbm>>) dst(%arg11 : memref<256x64xf32, #tpu.memory_space<vmem>>)
      %dma_start3A_119 = arith.constant 0 : i32
      %dma_start3A_120 = tpu.memref_slice %arg8[%add3A_100, %dma_start3A_119] : memref<40x256xi32, #tpu.memory_space<vmem>> -> memref<1x256xi32, #tpu.memory_space<vmem>>
      %dma_start3A_121 = tpu.memref_squeeze %dma_start3A_120 : memref<1x256xi32, #tpu.memory_space<vmem>> -> memref<256xi32, #tpu.memory_space<vmem>>
      %dma_start3A_122 = arith.constant 0 : i32
      %dma_start3A_123 = arith.constant 0 : i32
      %dma_start3A_124 = tpu.memref_slice %arg13[%dma_start3A_122, %dma_start3A_123] : memref<10240x64xf32, #tpu.memory_space<vmem_shared>> -> memref<10240x64xf32, #tpu.memory_space<vmem_shared>>
      tpu.enqueue_indirect_dma source(%arg11 : memref<256x64xf32, #tpu.memory_space<vmem>>) target(%dma_start3A_124 : memref<10240x64xf32, #tpu.memory_space<vmem_shared>>) offsets(%dma_start3A_121 : memref<256xi32, #tpu.memory_space<vmem>>) semaphore(%arg20 : memref<!tpu.dma_semaphore, #tpu.memory_space<semaphore_mem>>) {add = true}
      %mul3A_125 = arith.constant 4 : i32
      %mul3A_126 = arith.muli %mul3A_125, %scan3A_41 : i32
      %add3A_127 = arith.constant 3 : i32
      %add3A_128 = arith.addi %mul3A_126, %add3A_127 : i32
      %ge3A_129 = arith.constant 2 : i32
      %ge3A_130 = arith.cmpi sge, %add3A_128, %ge3A_129 : i32
      %convert_element_type3A_131 = arith.extui %ge3A_130 : i1 to i32
      %cond3A_132 = arith.constant 0 : i32
      %cond3A_133 = arith.cmpi ne, %convert_element_type3A_131, %cond3A_132 : i32
      scf.if %cond3A_133 {
        %sub3A = arith.constant 2 : i32
        %sub3A_153 = arith.subi %add3A_128, %sub3A : i32
        %dma_wait3A_154 = arith.constant 0 : i32
        %dma_wait3A_155 = tpu.memref_slice %arg8[%sub3A_153, %dma_wait3A_154] : memref<40x256xi32, #tpu.memory_space<vmem>> -> memref<1x256xi32, #tpu.memory_space<vmem>>
        %dma_wait3A_156 = tpu.memref_squeeze %dma_wait3A_155 : memref<1x256xi32, #tpu.memory_space<vmem>> -> memref<256xi32, #tpu.memory_space<vmem>>
        %dma_wait3A_157 = arith.constant 0 : i32
        %dma_wait3A_158 = arith.constant 0 : i32
        %dma_wait3A_159 = tpu.memref_slice %arg13[%dma_wait3A_157, %dma_wait3A_158] : memref<10240x64xf32, #tpu.memory_space<vmem_shared>> -> memref<10240x64xf32, #tpu.memory_space<vmem_shared>>
        tpu.wait_indirect_dma semaphore(%arg19 : memref<!tpu.dma_semaphore, #tpu.memory_space<semaphore_mem>>) src(%arg10 : memref<256x64xf32, #tpu.memory_space<vmem>>) dst(%dma_wait3A_159 : memref<10240x64xf32, #tpu.memory_space<vmem_shared>>)
      } else {
      }
      %add3A_134 = arith.constant 2 : i32
      %add3A_135 = arith.addi %add3A_128, %add3A_134 : i32
      %lt3A_136 = arith.constant 40 : i32
      %lt3A_137 = arith.cmpi slt, %add3A_135, %lt3A_136 : i32
      %convert_element_type3A_138 = arith.extui %lt3A_137 : i1 to i32
      %cond3A_139 = arith.constant 0 : i32
      %cond3A_140 = arith.cmpi ne, %convert_element_type3A_138, %cond3A_139 : i32
      scf.if %cond3A_140 {
        %add3A_153 = arith.constant 2 : i32
        %add3A_154 = arith.addi %add3A_128, %add3A_153 : i32
        %dma_start3A_155 = arith.constant 0 : i32
        %dma_start3A_156 = tpu.memref_slice %arg7[%add3A_154, %dma_start3A_155] : memref<40x256xi32, #tpu.memory_space<vmem>> -> memref<1x256xi32, #tpu.memory_space<vmem>>
        %dma_start3A_157 = tpu.memref_squeeze %dma_start3A_156 : memref<1x256xi32, #tpu.memory_space<vmem>> -> memref<256xi32, #tpu.memory_space<vmem>>
        %dma_start3A_158 = arith.constant 0 : i32
        %dma_start3A_159 = arith.constant 0 : i32
        %dma_start3A_160 = tpu.memref_slice %arg4[%dma_start3A_158, %dma_start3A_159] : memref<10000x64xf32, #tpu.memory_space<hbm>> -> memref<10000x64xf32, #tpu.memory_space<hbm>>
        tpu.enqueue_indirect_dma source(%dma_start3A_160 : memref<10000x64xf32, #tpu.memory_space<hbm>>) target(%arg10 : memref<256x64xf32, #tpu.memory_space<vmem>>) offsets(%dma_start3A_157 : memref<256xi32, #tpu.memory_space<vmem>>) semaphore(%arg15 : memref<!tpu.dma_semaphore, #tpu.memory_space<semaphore_mem>>)
      } else {
      }
      %dma_wait3A_141 = arith.constant 0 : i32
      %dma_wait3A_142 = tpu.memref_slice %arg7[%add3A_128, %dma_wait3A_141] : memref<40x256xi32, #tpu.memory_space<vmem>> -> memref<1x256xi32, #tpu.memory_space<vmem>>
      %dma_wait3A_143 = tpu.memref_squeeze %dma_wait3A_142 : memref<1x256xi32, #tpu.memory_space<vmem>> -> memref<256xi32, #tpu.memory_space<vmem>>
      %dma_wait3A_144 = arith.constant 0 : i32
      %dma_wait3A_145 = arith.constant 0 : i32
      %dma_wait3A_146 = tpu.memref_slice %arg4[%dma_wait3A_144, %dma_wait3A_145] : memref<10000x64xf32, #tpu.memory_space<hbm>> -> memref<10000x64xf32, #tpu.memory_space<hbm>>
      tpu.wait_indirect_dma semaphore(%arg17 : memref<!tpu.dma_semaphore, #tpu.memory_space<semaphore_mem>>) src(%dma_wait3A_146 : memref<10000x64xf32, #tpu.memory_space<hbm>>) dst(%arg12 : memref<256x64xf32, #tpu.memory_space<vmem>>)
      %dma_start3A_147 = arith.constant 0 : i32
      %dma_start3A_148 = tpu.memref_slice %arg8[%add3A_128, %dma_start3A_147] : memref<40x256xi32, #tpu.memory_space<vmem>> -> memref<1x256xi32, #tpu.memory_space<vmem>>
      %dma_start3A_149 = tpu.memref_squeeze %dma_start3A_148 : memref<1x256xi32, #tpu.memory_space<vmem>> -> memref<256xi32, #tpu.memory_space<vmem>>
      %dma_start3A_150 = arith.constant 0 : i32
      %dma_start3A_151 = arith.constant 0 : i32
      %dma_start3A_152 = tpu.memref_slice %arg13[%dma_start3A_150, %dma_start3A_151] : memref<10240x64xf32, #tpu.memory_space<vmem_shared>> -> memref<10240x64xf32, #tpu.memory_space<vmem_shared>>
      tpu.enqueue_indirect_dma source(%arg12 : memref<256x64xf32, #tpu.memory_space<vmem>>) target(%dma_start3A_152 : memref<10240x64xf32, #tpu.memory_space<vmem_shared>>) offsets(%dma_start3A_149 : memref<256xi32, #tpu.memory_space<vmem>>) semaphore(%arg21 : memref<!tpu.dma_semaphore, #tpu.memory_space<semaphore_mem>>) {add = true}
    }
    %scan3A_20 = arith.constant 10 : i32
    %dma_wait3A = arith.constant 38 : i32
    %dma_wait3A_21 = arith.constant 0 : i32
    %dma_wait3A_22 = tpu.memref_slice %arg8[%dma_wait3A, %dma_wait3A_21] : memref<40x256xi32, #tpu.memory_space<vmem>> -> memref<1x256xi32, #tpu.memory_space<vmem>>
    %dma_wait3A_23 = tpu.memref_squeeze %dma_wait3A_22 : memref<1x256xi32, #tpu.memory_space<vmem>> -> memref<256xi32, #tpu.memory_space<vmem>>
    %dma_wait3A_24 = arith.constant 0 : i32
    %dma_wait3A_25 = arith.constant 0 : i32
    %dma_wait3A_26 = tpu.memref_slice %arg13[%dma_wait3A_24, %dma_wait3A_25] : memref<10240x64xf32, #tpu.memory_space<vmem_shared>> -> memref<10240x64xf32, #tpu.memory_space<vmem_shared>>
    tpu.wait_indirect_dma semaphore(%arg20 : memref<!tpu.dma_semaphore, #tpu.memory_space<semaphore_mem>>) src(%arg11 : memref<256x64xf32, #tpu.memory_space<vmem>>) dst(%dma_wait3A_26 : memref<10240x64xf32, #tpu.memory_space<vmem_shared>>)
    %dma_wait3A_27 = arith.constant 39 : i32
    %dma_wait3A_28 = arith.constant 0 : i32
    %dma_wait3A_29 = tpu.memref_slice %arg8[%dma_wait3A_27, %dma_wait3A_28] : memref<40x256xi32, #tpu.memory_space<vmem>> -> memref<1x256xi32, #tpu.memory_space<vmem>>
    %dma_wait3A_30 = tpu.memref_squeeze %dma_wait3A_29 : memref<1x256xi32, #tpu.memory_space<vmem>> -> memref<256xi32, #tpu.memory_space<vmem>>
    %dma_wait3A_31 = arith.constant 0 : i32
    %dma_wait3A_32 = arith.constant 0 : i32
    %dma_wait3A_33 = tpu.memref_slice %arg13[%dma_wait3A_31, %dma_wait3A_32] : memref<10240x64xf32, #tpu.memory_space<vmem_shared>> -> memref<10240x64xf32, #tpu.memory_space<vmem_shared>>
    tpu.wait_indirect_dma semaphore(%arg21 : memref<!tpu.dma_semaphore, #tpu.memory_space<semaphore_mem>>) src(%arg12 : memref<256x64xf32, #tpu.memory_space<vmem>>) dst(%dma_wait3A_33 : memref<10240x64xf32, #tpu.memory_space<vmem_shared>>)
    %barrier3A_34 = arith.constant 0 : index
    tpu.barrier barrier_id(%barrier3A_34)
    %lt3A = arith.constant 15 : i32
    %lt3A_35 = arith.cmpi slt, %arg1, %lt3A : i32
    %convert_element_type3A = arith.extui %lt3A_35 : i1 to i32
    %cond3A = arith.constant 0 : i32
    %cond3A_36 = arith.cmpi ne, %convert_element_type3A, %cond3A : i32
    scf.if %cond3A_36 {
      %mul3A_41 = arith.constant 640 : i32
      %mul3A_42 = arith.muli %arg1, %mul3A_41 : i32
      %mul3A_43 = arith.constant 640 : i32
      %mul3A_44 = arith.muli %arg1, %mul3A_43 : i32
      "tpu.region"() ({
        %run_scoped3A = tpu.sem_alloc : memref<!tpu.dma_semaphore, #tpu.memory_space<semaphore_mem>>
        %dma_start3A_45 = arith.constant 0 : i32
        %dma_start3A_46 = tpu.memref_slice %arg6[%arg0, %mul3A_44, %dma_start3A_45] : memref<2x10000x64xf32, #tpu.memory_space<hbm>> -> memref<1x640x64xf32, #tpu.memory_space<hbm>>
        %dma_start3A_47 = tpu.memref_squeeze %dma_start3A_46 : memref<1x640x64xf32, #tpu.memory_space<hbm>> -> memref<640x64xf32, #tpu.memory_space<hbm>>
        %dma_start3A_48 = arith.constant 0 : i32
        %dma_start3A_49 = tpu.memref_slice %arg13[%mul3A_42, %dma_start3A_48] : memref<10240x64xf32, #tpu.memory_space<vmem_shared>> -> memref<640x64xf32, #tpu.memory_space<vmem_shared>>
        tpu.enqueue_dma source(%dma_start3A_49 : memref<640x64xf32, #tpu.memory_space<vmem_shared>>) target(%dma_start3A_47 : memref<640x64xf32, #tpu.memory_space<hbm>>) target_semaphore(%run_scoped3A : memref<!tpu.dma_semaphore, #tpu.memory_space<semaphore_mem>>)
        %dma_wait3A_50 = arith.constant 0 : i32
        %dma_wait3A_51 = tpu.memref_slice %arg6[%arg0, %mul3A_44, %dma_wait3A_50] : memref<2x10000x64xf32, #tpu.memory_space<hbm>> -> memref<1x640x64xf32, #tpu.memory_space<hbm>>
        %dma_wait3A_52 = tpu.memref_squeeze %dma_wait3A_51 : memref<1x640x64xf32, #tpu.memory_space<hbm>> -> memref<640x64xf32, #tpu.memory_space<hbm>>
        %dma_wait3A_53 = arith.constant 0 : i32
        %dma_wait3A_54 = tpu.memref_slice %arg13[%mul3A_42, %dma_wait3A_53] : memref<10240x64xf32, #tpu.memory_space<vmem_shared>> -> memref<640x64xf32, #tpu.memory_space<vmem_shared>>
        tpu.wait_dma2 semaphore(%run_scoped3A : memref<!tpu.dma_semaphore, #tpu.memory_space<semaphore_mem>>) src(%dma_wait3A_54 : memref<640x64xf32, #tpu.memory_space<vmem_shared>>) dst(%dma_wait3A_52 : memref<640x64xf32, #tpu.memory_space<hbm>>)
        tpu.yield
      }) : () -> ()
    } else {
    }
    %eq3A = arith.constant 15 : i32
    %eq3A_37 = arith.cmpi eq, %arg1, %eq3A : i32
    %convert_element_type3A_38 = arith.extui %eq3A_37 : i1 to i32
    %cond3A_39 = arith.constant 0 : i32
    %cond3A_40 = arith.cmpi ne, %convert_element_type3A_38, %cond3A_39 : i32
    scf.if %cond3A_40 {
      "tpu.region"() ({
        %run_scoped3A = tpu.sem_alloc : memref<!tpu.dma_semaphore, #tpu.memory_space<semaphore_mem>>
        %dma_start3A_41 = arith.constant 9600 : i32
        %dma_start3A_42 = arith.constant 0 : i32
        %dma_start3A_43 = tpu.memref_slice %arg6[%arg0, %dma_start3A_41, %dma_start3A_42] : memref<2x10000x64xf32, #tpu.memory_space<hbm>> -> memref<1x400x64xf32, #tpu.memory_space<hbm>>
        %dma_start3A_44 = tpu.memref_squeeze %dma_start3A_43 : memref<1x400x64xf32, #tpu.memory_space<hbm>> -> memref<400x64xf32, #tpu.memory_space<hbm>>
        %dma_start3A_45 = arith.constant 9600 : i32
        %dma_start3A_46 = arith.constant 0 : i32
        %dma_start3A_47 = tpu.memref_slice %arg13[%dma_start3A_45, %dma_start3A_46] : memref<10240x64xf32, #tpu.memory_space<vmem_shared>> -> memref<400x64xf32, #tpu.memory_space<vmem_shared>>
        tpu.enqueue_dma source(%dma_start3A_47 : memref<400x64xf32, #tpu.memory_space<vmem_shared>>) target(%dma_start3A_44 : memref<400x64xf32, #tpu.memory_space<hbm>>) target_semaphore(%run_scoped3A : memref<!tpu.dma_semaphore, #tpu.memory_space<semaphore_mem>>)
        %dma_wait3A_48 = arith.constant 9600 : i32
        %dma_wait3A_49 = arith.constant 0 : i32
        %dma_wait3A_50 = tpu.memref_slice %arg6[%arg0, %dma_wait3A_48, %dma_wait3A_49] : memref<2x10000x64xf32, #tpu.memory_space<hbm>> -> memref<1x400x64xf32, #tpu.memory_space<hbm>>
        %dma_wait3A_51 = tpu.memref_squeeze %dma_wait3A_50 : memref<1x400x64xf32, #tpu.memory_space<hbm>> -> memref<400x64xf32, #tpu.memory_space<hbm>>
        %dma_wait3A_52 = arith.constant 9600 : i32
        %dma_wait3A_53 = arith.constant 0 : i32
        %dma_wait3A_54 = tpu.memref_slice %arg13[%dma_wait3A_52, %dma_wait3A_53] : memref<10240x64xf32, #tpu.memory_space<vmem_shared>> -> memref<400x64xf32, #tpu.memory_space<vmem_shared>>
        tpu.wait_dma2 semaphore(%run_scoped3A : memref<!tpu.dma_semaphore, #tpu.memory_space<semaphore_mem>>) src(%dma_wait3A_54 : memref<400x64xf32, #tpu.memory_space<vmem_shared>>) dst(%dma_wait3A_51 : memref<400x64xf32, #tpu.memory_space<hbm>>)
        tpu.yield
      }) : () -> ()
    } else {
    }
    return
  }
}

module attributes {stable_mosaic.version = 14 : i64} {
  func.func @_tc1a_body(%arg0: i32, %arg1: memref<1000x128xf32, #tpu.memory_space<vmem>>, %arg2: memref<128x64xf32, #tpu.memory_space<vmem>>, %arg3: memref<1000x64xf32, #tpu.memory_space<vmem>>) attributes {dimension_semantics = [#tpu.dimension_semantics<arbitrary>], iteration_bounds = array<i64: 10>, scalar_prefetch = 0 : i64, scratch_operands = 0 : i64, tpu.core_type = #tpu.core_type<tc>, window_params = [{transform_indices = @transform_0, window_bounds = array<i64: 1000, 128>}, {pipeline_mode = #tpu.pipeline_mode<synchronous>, transform_indices = @transform_1, window_bounds = array<i64: 128, 64>}, {transform_indices = @transform_2, window_bounds = array<i64: 1000, 64>}]} {
    %get3A = arith.constant 0 : index
    %get3A_0 = arith.constant 0 : index
    %get3A_1 = vector.load %arg1[%get3A, %get3A_0] : memref<1000x128xf32, #tpu.memory_space<vmem>>, vector<1000x128xf32>
    %get3A_2 = arith.constant 0 : index
    %get3A_3 = arith.constant 0 : index
    %get3A_4 = vector.load %arg2[%get3A_2, %get3A_3] : memref<128x64xf32, #tpu.memory_space<vmem>>, vector<128x64xf32>
    %dot_general3A = arith.constant dense<0.000000e+00> : vector<1000x64xf32>
    %dot_general3A_5 = tpu.matmul %get3A_1, %get3A_4, %dot_general3A {dimension_numbers = #tpu.dot_dimension_numbers<[1], [0], [0], [1], [0, 0, 1, 1], [], []>, transpose_lhs_hint = false} : vector<1000x128xf32>, vector<128x64xf32>, vector<1000x64xf32> -> vector<1000x64xf32>
    %swap3A = arith.constant 0 : index
    %swap3A_6 = arith.constant 0 : index
    %swap3A_7 = vector.load %arg3[%swap3A, %swap3A_6] : memref<1000x64xf32, #tpu.memory_space<vmem>>, vector<1000x64xf32>
    tpu.vector_store %arg3[%swap3A, %swap3A_6], %dot_general3A_5 {strides = array<i32>} : memref<1000x64xf32, #tpu.memory_space<vmem>>, vector<1000x64xf32>,
    return
  }
  func.func @transform_0(%arg0: i32) -> (i32, i32) {
    %c0_i32 = arith.constant 0 : i32
    %c0_i32_0 = arith.constant 0 : i32
    return %arg0, %c0_i32 : i32, i32
  }
  func.func @transform_1(%arg0: i32) -> (i32, i32) {
    %c0_i32 = arith.constant 0 : i32
    %c0_i32_0 = arith.constant 0 : i32
    %c0_i32_1 = arith.constant 0 : i32
    return %c0_i32, %c0_i32_0 : i32, i32
  }
  func.func @transform_2(%arg0: i32) -> (i32, i32) {
    %c0_i32 = arith.constant 0 : i32
    %c0_i32_0 = arith.constant 0 : i32
    return %arg0, %c0_i32 : i32, i32
  }
}

module attributes {stable_mosaic.version = 14 : i64} {
  func.func @_tc1b_body(%arg0: i32, %arg1: memref<1000x128xf32, #tpu.memory_space<vmem>>, %arg2: memref<1000x256xf32, #tpu.memory_space<vmem>>, %arg3: memref<128x64xf32, #tpu.memory_space<vmem>>, %arg4: memref<64x64xf32, #tpu.memory_space<vmem>>, %arg5: memref<1x64xf32, #tpu.memory_space<vmem>>, %arg6: memref<1x64xf32, #tpu.memory_space<vmem>>, %arg7: memref<1000x64xf32, #tpu.memory_space<vmem>>, %arg8: memref<1000x64xf32, #tpu.memory_space<vmem>>) attributes {dimension_semantics = [#tpu.dimension_semantics<arbitrary>], iteration_bounds = array<i64: 10>, scalar_prefetch = 0 : i64, scratch_operands = 0 : i64, tpu.core_type = #tpu.core_type<tc>, window_params = [{transform_indices = @transform_0, window_bounds = array<i64: 1000, 128>}, {transform_indices = @transform_1, window_bounds = array<i64: 1000, 256>}, {pipeline_mode = #tpu.pipeline_mode<synchronous>, transform_indices = @transform_2, window_bounds = array<i64: 128, 64>}, {pipeline_mode = #tpu.pipeline_mode<synchronous>, transform_indices = @transform_3, window_bounds = array<i64: 64, 64>}, {pipeline_mode = #tpu.pipeline_mode<synchronous>, transform_indices = @transform_4, window_bounds = array<i64: 1, 64>}, {pipeline_mode = #tpu.pipeline_mode<synchronous>, transform_indices = @transform_5, window_bounds = array<i64: 1, 64>}, {transform_indices = @transform_6, window_bounds = array<i64: 1000, 64>}, {transform_indices = @transform_7, window_bounds = array<i64: 1000, 64>}]} {
    %get3A = arith.constant 0 : index
    %get3A_0 = arith.constant 0 : index
    %get3A_1 = vector.load %arg2[%get3A, %get3A_0] : memref<1000x256xf32, #tpu.memory_space<vmem>>, vector<1000x256xf32>
    %slice3A = vector.extract_strided_slice %get3A_1 {offsets = [0, 0], sizes = [1000, 64], strides = [1, 1]} : vector<1000x256xf32> to vector<1000x64xf32>
    %slice3A_2 = vector.extract_strided_slice %get3A_1 {offsets = [0, 64], sizes = [1000, 64], strides = [1, 1]} : vector<1000x256xf32> to vector<1000x64xf32>
    %add3A = arith.addf %slice3A, %slice3A_2 : vector<1000x64xf32>
    %slice3A_3 = vector.extract_strided_slice %get3A_1 {offsets = [0, 128], sizes = [1000, 64], strides = [1, 1]} : vector<1000x256xf32> to vector<1000x64xf32>
    %add3A_4 = arith.addf %add3A, %slice3A_3 : vector<1000x64xf32>
    %slice3A_5 = vector.extract_strided_slice %get3A_1 {offsets = [0, 192], sizes = [1000, 64], strides = [1, 1]} : vector<1000x256xf32> to vector<1000x64xf32>
    %add3A_6 = arith.addf %add3A_4, %slice3A_5 : vector<1000x64xf32>
    %mul3A = arith.constant 2.500000e-01 : f32
    %mul3A_7 = vector.broadcast %mul3A : f32 to vector<1000x64xf32>
    %mul3A_8 = arith.mulf %add3A_6, %mul3A_7 : vector<1000x64xf32>
    %get3A_9 = arith.constant 0 : index
    %get3A_10 = arith.constant 0 : index
    %get3A_11 = vector.load %arg4[%get3A_9, %get3A_10] : memref<64x64xf32, #tpu.memory_space<vmem>>, vector<64x64xf32>
    %dot_general3A = arith.constant dense<0.000000e+00> : vector<1000x64xf32>
    %dot_general3A_12 = tpu.matmul %mul3A_8, %get3A_11, %dot_general3A {dimension_numbers = #tpu.dot_dimension_numbers<[1], [0], [0], [1], [0, 0, 1, 1], [], []>, transpose_lhs_hint = false} : vector<1000x64xf32>, vector<64x64xf32>, vector<1000x64xf32> -> vector<1000x64xf32>
    %get3A_13 = arith.constant 0 : index
    %get3A_14 = arith.constant 0 : index
    %get3A_15 = vector.load %arg5[%get3A_13, %get3A_14] : memref<1x64xf32, #tpu.memory_space<vmem>>, vector<1x64xf32>
    %add3A_16 = vector.broadcast %get3A_15 : vector<1x64xf32> to vector<1000x64xf32>
    %add3A_17 = arith.addf %dot_general3A_12, %add3A_16 : vector<1000x64xf32>
    %get3A_18 = arith.constant 0 : index
    %get3A_19 = arith.constant 0 : index
    %get3A_20 = vector.load %arg1[%get3A_18, %get3A_19] : memref<1000x128xf32, #tpu.memory_space<vmem>>, vector<1000x128xf32>
    %get3A_21 = arith.constant 0 : index
    %get3A_22 = arith.constant 0 : index
    %get3A_23 = vector.load %arg3[%get3A_21, %get3A_22] : memref<128x64xf32, #tpu.memory_space<vmem>>, vector<128x64xf32>
    %dot_general3A_24 = arith.constant dense<0.000000e+00> : vector<1000x64xf32>
    %dot_general3A_25 = tpu.matmul %get3A_20, %get3A_23, %dot_general3A_24 {dimension_numbers = #tpu.dot_dimension_numbers<[1], [0], [0], [1], [0, 0, 1, 1], [], []>, transpose_lhs_hint = false} : vector<1000x128xf32>, vector<128x64xf32>, vector<1000x64xf32> -> vector<1000x64xf32>
    %add3A_26 = arith.addf %dot_general3A_25, %add3A_17 : vector<1000x64xf32>
    %get3A_27 = arith.constant 0 : index
    %get3A_28 = arith.constant 0 : index
    %get3A_29 = vector.load %arg6[%get3A_27, %get3A_28] : memref<1x64xf32, #tpu.memory_space<vmem>>, vector<1x64xf32>
    %add3A_30 = vector.broadcast %get3A_29 : vector<1x64xf32> to vector<1000x64xf32>
    %add3A_31 = arith.addf %add3A_26, %add3A_30 : vector<1000x64xf32>
    %swap3A = arith.constant 0 : index
    %swap3A_32 = arith.constant 0 : index
    %swap3A_33 = vector.load %arg7[%swap3A, %swap3A_32] : memref<1000x64xf32, #tpu.memory_space<vmem>>, vector<1000x64xf32>
    tpu.vector_store %arg7[%swap3A, %swap3A_32], %add3A_31 {strides = array<i32>} : memref<1000x64xf32, #tpu.memory_space<vmem>>, vector<1000x64xf32>,
    %swap3A_34 = arith.constant 0 : index
    %swap3A_35 = arith.constant 0 : index
    %swap3A_36 = vector.load %arg8[%swap3A_34, %swap3A_35] : memref<1000x64xf32, #tpu.memory_space<vmem>>, vector<1000x64xf32>
    tpu.vector_store %arg8[%swap3A_34, %swap3A_35], %add3A_17 {strides = array<i32>} : memref<1000x64xf32, #tpu.memory_space<vmem>>, vector<1000x64xf32>,
    return
  }
  func.func @transform_0(%arg0: i32) -> (i32, i32) {
    %c0_i32 = arith.constant 0 : i32
    %c0_i32_0 = arith.constant 0 : i32
    return %arg0, %c0_i32 : i32, i32
  }
  func.func @transform_1(%arg0: i32) -> (i32, i32) {
    %c0_i32 = arith.constant 0 : i32
    %c0_i32_0 = arith.constant 0 : i32
    return %arg0, %c0_i32 : i32, i32
  }
  func.func @transform_2(%arg0: i32) -> (i32, i32) {
    %c0_i32 = arith.constant 0 : i32
    %c0_i32_0 = arith.constant 0 : i32
    %c0_i32_1 = arith.constant 0 : i32
    return %c0_i32, %c0_i32_0 : i32, i32
  }
  func.func @transform_3(%arg0: i32) -> (i32, i32) {
    %c0_i32 = arith.constant 0 : i32
    %c0_i32_0 = arith.constant 0 : i32
    %c0_i32_1 = arith.constant 0 : i32
    return %c0_i32, %c0_i32_0 : i32, i32
  }
  func.func @transform_4(%arg0: i32) -> (i32, i32) {
    %c0_i32 = arith.constant 0 : i32
    %c0_i32_0 = arith.constant 0 : i32
    %c0_i32_1 = arith.constant 0 : i32
    return %c0_i32, %c0_i32_0 : i32, i32
  }
  func.func @transform_5(%arg0: i32) -> (i32, i32) {
    %c0_i32 = arith.constant 0 : i32
    %c0_i32_0 = arith.constant 0 : i32
    %c0_i32_1 = arith.constant 0 : i32
    return %c0_i32, %c0_i32_0 : i32, i32
  }
  func.func @transform_6(%arg0: i32) -> (i32, i32) {
    %c0_i32 = arith.constant 0 : i32
    %c0_i32_0 = arith.constant 0 : i32
    return %arg0, %c0_i32 : i32, i32
  }
  func.func @transform_7(%arg0: i32) -> (i32, i32) {
    %c0_i32 = arith.constant 0 : i32
    %c0_i32_0 = arith.constant 0 : i32
    return %arg0, %c0_i32 : i32, i32
  }
}

module attributes {stable_mosaic.version = 14 : i64} {
  func.func @_tc2a_body(%arg0: i32, %arg1: memref<2x1000x64xf32, #tpu.memory_space<vmem>>, %arg2: memref<1000x2xf32, #tpu.memory_space<vmem>>, %arg3: memref<1000x64xf32, #tpu.memory_space<vmem>>, %arg4: memref<64x64xf32, #tpu.memory_space<vmem>>, %arg5: memref<1000x64xf32, #tpu.memory_space<vmem>>, %arg6: memref<1000x64xf32, #tpu.memory_space<vmem>>) attributes {dimension_semantics = [#tpu.dimension_semantics<arbitrary>], iteration_bounds = array<i64: 10>, scalar_prefetch = 0 : i64, scratch_operands = 0 : i64, tpu.core_type = #tpu.core_type<tc>, window_params = [{transform_indices = @transform_0, window_bounds = array<i64: 2, 1000, 64>}, {transform_indices = @transform_1, window_bounds = array<i64: 1000, 2>}, {transform_indices = @transform_2, window_bounds = array<i64: 1000, 64>}, {pipeline_mode = #tpu.pipeline_mode<synchronous>, transform_indices = @transform_3, window_bounds = array<i64: 64, 64>}, {transform_indices = @transform_4, window_bounds = array<i64: 1000, 64>}, {transform_indices = @transform_5, window_bounds = array<i64: 1000, 64>}]} {
    %get3A = arith.constant 0 : index
    %get3A_0 = arith.constant 0 : index
    %get3A_1 = arith.constant 0 : index
    %get3A_2 = vector.load %arg1[%get3A, %get3A_0, %get3A_1] : memref<2x1000x64xf32, #tpu.memory_space<vmem>>, vector<1x1000x64xf32>
    %get3A_3 = vector.shape_cast %get3A_2 : vector<1x1000x64xf32> to vector<1000x64xf32>
    %get3A_4 = arith.constant 1 : index
    %get3A_5 = arith.constant 0 : index
    %get3A_6 = arith.constant 0 : index
    %get3A_7 = vector.load %arg1[%get3A_4, %get3A_5, %get3A_6] : memref<2x1000x64xf32, #tpu.memory_space<vmem>>, vector<1x1000x64xf32>
    %get3A_8 = vector.shape_cast %get3A_7 : vector<1x1000x64xf32> to vector<1000x64xf32>
    %add3A = arith.addf %get3A_3, %get3A_8 : vector<1000x64xf32>
    %get3A_9 = arith.constant 0 : index
    %get3A_10 = arith.constant 0 : index
    %get3A_11 = vector.load %arg2[%get3A_9, %get3A_10] : memref<1000x2xf32, #tpu.memory_space<vmem>>, vector<1000x1xf32>
    %get3A_12 = arith.constant 0 : index
    %get3A_13 = arith.constant 1 : index
    %get3A_14 = vector.load %arg2[%get3A_12, %get3A_13] : memref<1000x2xf32, #tpu.memory_space<vmem>>, vector<1000x1xf32>
    %add3A_15 = arith.addf %get3A_11, %get3A_14 : vector<1000x1xf32>
    %max3A = arith.constant 1.000000e+00 : f32
    %max3A_16 = vector.broadcast %max3A : f32 to vector<1000x1xf32>
    %max3A_17 = arith.maximumf %add3A_15, %max3A_16 : vector<1000x1xf32>
    %div3A = arith.constant 1.000000e+00 : f32
    %div3A_18 = vector.broadcast %div3A : f32 to vector<1000x1xf32>
    %div3A_19 = arith.divf %div3A_18, %max3A_17 : vector<1000x1xf32>
    %mul3A = vector.broadcast %div3A_19 : vector<1000x1xf32> to vector<1000x64xf32>
    %mul3A_20 = arith.mulf %add3A, %mul3A : vector<1000x64xf32>
    %get3A_21 = arith.constant 0 : index
    %get3A_22 = arith.constant 0 : index
    %get3A_23 = vector.load %arg3[%get3A_21, %get3A_22] : memref<1000x64xf32, #tpu.memory_space<vmem>>, vector<1000x64xf32>
    %add3A_24 = arith.addf %mul3A_20, %get3A_23 : vector<1000x64xf32>
    %max3A_25 = arith.constant 0.000000e+00 : f32
    %max3A_26 = vector.broadcast %max3A_25 : f32 to vector<1000x64xf32>
    %max3A_27 = arith.maximumf %add3A_24, %max3A_26 : vector<1000x64xf32>
    %get3A_28 = arith.constant 0 : index
    %get3A_29 = arith.constant 0 : index
    %get3A_30 = vector.load %arg4[%get3A_28, %get3A_29] : memref<64x64xf32, #tpu.memory_space<vmem>>, vector<64x64xf32>
    %dot_general3A = arith.constant dense<0.000000e+00> : vector<1000x64xf32>
    %dot_general3A_31 = tpu.matmul %max3A_27, %get3A_30, %dot_general3A {dimension_numbers = #tpu.dot_dimension_numbers<[1], [0], [0], [1], [0, 0, 1, 1], [], []>, transpose_lhs_hint = false} : vector<1000x64xf32>, vector<64x64xf32>, vector<1000x64xf32> -> vector<1000x64xf32>
    %swap3A = arith.constant 0 : index
    %swap3A_32 = arith.constant 0 : index
    %swap3A_33 = vector.load %arg5[%swap3A, %swap3A_32] : memref<1000x64xf32, #tpu.memory_space<vmem>>, vector<1000x64xf32>
    tpu.vector_store %arg5[%swap3A, %swap3A_32], %dot_general3A_31 {strides = array<i32>} : memref<1000x64xf32, #tpu.memory_space<vmem>>, vector<1000x64xf32>,
    %swap3A_34 = arith.constant 0 : index
    %swap3A_35 = arith.constant 0 : index
    %swap3A_36 = vector.load %arg6[%swap3A_34, %swap3A_35] : memref<1000x64xf32, #tpu.memory_space<vmem>>, vector<1000x64xf32>
    tpu.vector_store %arg6[%swap3A_34, %swap3A_35], %max3A_27 {strides = array<i32>} : memref<1000x64xf32, #tpu.memory_space<vmem>>, vector<1000x64xf32>,
    return
  }
  func.func @transform_0(%arg0: i32) -> (i32, i32, i32) {
    %c0_i32 = arith.constant 0 : i32
    %c0_i32_0 = arith.constant 0 : i32
    %c0_i32_1 = arith.constant 0 : i32
    return %c0_i32, %arg0, %c0_i32_0 : i32, i32, i32
  }
  func.func @transform_1(%arg0: i32) -> (i32, i32) {
    %c0_i32 = arith.constant 0 : i32
    %c0_i32_0 = arith.constant 0 : i32
    return %arg0, %c0_i32 : i32, i32
  }
  func.func @transform_2(%arg0: i32) -> (i32, i32) {
    %c0_i32 = arith.constant 0 : i32
    %c0_i32_0 = arith.constant 0 : i32
    return %arg0, %c0_i32 : i32, i32
  }
  func.func @transform_3(%arg0: i32) -> (i32, i32) {
    %c0_i32 = arith.constant 0 : i32
    %c0_i32_0 = arith.constant 0 : i32
    %c0_i32_1 = arith.constant 0 : i32
    return %c0_i32, %c0_i32_0 : i32, i32
  }
  func.func @transform_4(%arg0: i32) -> (i32, i32) {
    %c0_i32 = arith.constant 0 : i32
    %c0_i32_0 = arith.constant 0 : i32
    return %arg0, %c0_i32 : i32, i32
  }
  func.func @transform_5(%arg0: i32) -> (i32, i32) {
    %c0_i32 = arith.constant 0 : i32
    %c0_i32_0 = arith.constant 0 : i32
    return %arg0, %c0_i32 : i32, i32
  }
}

module attributes {stable_mosaic.version = 14 : i64} {
  func.func @_tc2b_body(%arg0: i32, %arg1: memref<1000x64xf32, #tpu.memory_space<vmem>>, %arg2: memref<1000x64xf32, #tpu.memory_space<vmem>>, %arg3: memref<64x64xf32, #tpu.memory_space<vmem>>, %arg4: memref<64x64xf32, #tpu.memory_space<vmem>>, %arg5: memref<1x64xf32, #tpu.memory_space<vmem>>, %arg6: memref<1000x64xf32, #tpu.memory_space<vmem>>) attributes {dimension_semantics = [#tpu.dimension_semantics<arbitrary>], iteration_bounds = array<i64: 10>, scalar_prefetch = 0 : i64, scratch_operands = 0 : i64, tpu.core_type = #tpu.core_type<tc>, window_params = [{transform_indices = @transform_0, window_bounds = array<i64: 1000, 64>}, {transform_indices = @transform_1, window_bounds = array<i64: 1000, 64>}, {pipeline_mode = #tpu.pipeline_mode<synchronous>, transform_indices = @transform_2, window_bounds = array<i64: 64, 64>}, {pipeline_mode = #tpu.pipeline_mode<synchronous>, transform_indices = @transform_3, window_bounds = array<i64: 64, 64>}, {pipeline_mode = #tpu.pipeline_mode<synchronous>, transform_indices = @transform_4, window_bounds = array<i64: 1, 64>}, {transform_indices = @transform_5, window_bounds = array<i64: 1000, 64>}]} {
    %get3A = arith.constant 0 : index
    %get3A_0 = arith.constant 0 : index
    %get3A_1 = vector.load %arg1[%get3A, %get3A_0] : memref<1000x64xf32, #tpu.memory_space<vmem>>, vector<1000x64xf32>
    %get3A_2 = arith.constant 0 : index
    %get3A_3 = arith.constant 0 : index
    %get3A_4 = vector.load %arg3[%get3A_2, %get3A_3] : memref<64x64xf32, #tpu.memory_space<vmem>>, vector<64x64xf32>
    %dot_general3A = arith.constant dense<0.000000e+00> : vector<1000x64xf32>
    %dot_general3A_5 = tpu.matmul %get3A_1, %get3A_4, %dot_general3A {dimension_numbers = #tpu.dot_dimension_numbers<[1], [0], [0], [1], [0, 0, 1, 1], [], []>, transpose_lhs_hint = false} : vector<1000x64xf32>, vector<64x64xf32>, vector<1000x64xf32> -> vector<1000x64xf32>
    %get3A_6 = arith.constant 0 : index
    %get3A_7 = arith.constant 0 : index
    %get3A_8 = vector.load %arg2[%get3A_6, %get3A_7] : memref<1000x64xf32, #tpu.memory_space<vmem>>, vector<1000x64xf32>
    %get3A_9 = arith.constant 0 : index
    %get3A_10 = arith.constant 0 : index
    %get3A_11 = vector.load %arg4[%get3A_9, %get3A_10] : memref<64x64xf32, #tpu.memory_space<vmem>>, vector<64x64xf32>
    %dot_general3A_12 = arith.constant dense<0.000000e+00> : vector<1000x64xf32>
    %dot_general3A_13 = tpu.matmul %get3A_8, %get3A_11, %dot_general3A_12 {dimension_numbers = #tpu.dot_dimension_numbers<[1], [0], [0], [1], [0, 0, 1, 1], [], []>, transpose_lhs_hint = false} : vector<1000x64xf32>, vector<64x64xf32>, vector<1000x64xf32> -> vector<1000x64xf32>
    %add3A = arith.addf %dot_general3A_5, %dot_general3A_13 : vector<1000x64xf32>
    %get3A_14 = arith.constant 0 : index
    %get3A_15 = arith.constant 0 : index
    %get3A_16 = vector.load %arg5[%get3A_14, %get3A_15] : memref<1x64xf32, #tpu.memory_space<vmem>>, vector<1x64xf32>
    %add3A_17 = vector.broadcast %get3A_16 : vector<1x64xf32> to vector<1000x64xf32>
    %add3A_18 = arith.addf %add3A, %add3A_17 : vector<1000x64xf32>
    %swap3A = arith.constant 0 : index
    %swap3A_19 = arith.constant 0 : index
    %swap3A_20 = vector.load %arg6[%swap3A, %swap3A_19] : memref<1000x64xf32, #tpu.memory_space<vmem>>, vector<1000x64xf32>
    tpu.vector_store %arg6[%swap3A, %swap3A_19], %add3A_18 {strides = array<i32>} : memref<1000x64xf32, #tpu.memory_space<vmem>>, vector<1000x64xf32>,
    return
  }
  func.func @transform_0(%arg0: i32) -> (i32, i32) {
    %c0_i32 = arith.constant 0 : i32
    %c0_i32_0 = arith.constant 0 : i32
    return %arg0, %c0_i32 : i32, i32
  }
  func.func @transform_1(%arg0: i32) -> (i32, i32) {
    %c0_i32 = arith.constant 0 : i32
    %c0_i32_0 = arith.constant 0 : i32
    return %arg0, %c0_i32 : i32, i32
  }
  func.func @transform_2(%arg0: i32) -> (i32, i32) {
    %c0_i32 = arith.constant 0 : i32
    %c0_i32_0 = arith.constant 0 : i32
    %c0_i32_1 = arith.constant 0 : i32
    return %c0_i32, %c0_i32_0 : i32, i32
  }
  func.func @transform_3(%arg0: i32) -> (i32, i32) {
    %c0_i32 = arith.constant 0 : i32
    %c0_i32_0 = arith.constant 0 : i32
    %c0_i32_1 = arith.constant 0 : i32
    return %c0_i32, %c0_i32_0 : i32, i32
  }
  func.func @transform_4(%arg0: i32) -> (i32, i32) {
    %c0_i32 = arith.constant 0 : i32
    %c0_i32_0 = arith.constant 0 : i32
    %c0_i32_1 = arith.constant 0 : i32
    return %c0_i32, %c0_i32_0 : i32, i32
  }
  func.func @transform_5(%arg0: i32) -> (i32, i32) {
    %c0_i32 = arith.constant 0 : i32
    %c0_i32_0 = arith.constant 0 : i32
    return %arg0, %c0_i32 : i32, i32
  }
}

module attributes {stable_mosaic.version = 14 : i64} {
  func.func @_tc3_body(%arg0: i32, %arg1: memref<2x1000x64xf32, #tpu.memory_space<vmem>>, %arg2: memref<1000x2xf32, #tpu.memory_space<vmem>>, %arg3: memref<1000x64xf32, #tpu.memory_space<vmem>>, %arg4: memref<1000x64xf32, #tpu.memory_space<vmem>>) attributes {dimension_semantics = [#tpu.dimension_semantics<arbitrary>], iteration_bounds = array<i64: 10>, scalar_prefetch = 0 : i64, scratch_operands = 0 : i64, tpu.core_type = #tpu.core_type<tc>, window_params = [{transform_indices = @transform_0, window_bounds = array<i64: 2, 1000, 64>}, {transform_indices = @transform_1, window_bounds = array<i64: 1000, 2>}, {transform_indices = @transform_2, window_bounds = array<i64: 1000, 64>}, {transform_indices = @transform_3, window_bounds = array<i64: 1000, 64>}]} {
    %get3A = arith.constant 0 : index
    %get3A_0 = arith.constant 0 : index
    %get3A_1 = arith.constant 0 : index
    %get3A_2 = vector.load %arg1[%get3A, %get3A_0, %get3A_1] : memref<2x1000x64xf32, #tpu.memory_space<vmem>>, vector<1x1000x64xf32>
    %get3A_3 = vector.shape_cast %get3A_2 : vector<1x1000x64xf32> to vector<1000x64xf32>
    %get3A_4 = arith.constant 1 : index
    %get3A_5 = arith.constant 0 : index
    %get3A_6 = arith.constant 0 : index
    %get3A_7 = vector.load %arg1[%get3A_4, %get3A_5, %get3A_6] : memref<2x1000x64xf32, #tpu.memory_space<vmem>>, vector<1x1000x64xf32>
    %get3A_8 = vector.shape_cast %get3A_7 : vector<1x1000x64xf32> to vector<1000x64xf32>
    %add3A = arith.addf %get3A_3, %get3A_8 : vector<1000x64xf32>
    %get3A_9 = arith.constant 0 : index
    %get3A_10 = arith.constant 0 : index
    %get3A_11 = vector.load %arg2[%get3A_9, %get3A_10] : memref<1000x2xf32, #tpu.memory_space<vmem>>, vector<1000x1xf32>
    %get3A_12 = arith.constant 0 : index
    %get3A_13 = arith.constant 1 : index
    %get3A_14 = vector.load %arg2[%get3A_12, %get3A_13] : memref<1000x2xf32, #tpu.memory_space<vmem>>, vector<1000x1xf32>
    %add3A_15 = arith.addf %get3A_11, %get3A_14 : vector<1000x1xf32>
    %max3A = arith.constant 1.000000e+00 : f32
    %max3A_16 = vector.broadcast %max3A : f32 to vector<1000x1xf32>
    %max3A_17 = arith.maximumf %add3A_15, %max3A_16 : vector<1000x1xf32>
    %div3A = arith.constant 1.000000e+00 : f32
    %div3A_18 = vector.broadcast %div3A : f32 to vector<1000x1xf32>
    %div3A_19 = arith.divf %div3A_18, %max3A_17 : vector<1000x1xf32>
    %mul3A = vector.broadcast %div3A_19 : vector<1000x1xf32> to vector<1000x64xf32>
    %mul3A_20 = arith.mulf %add3A, %mul3A : vector<1000x64xf32>
    %get3A_21 = arith.constant 0 : index
    %get3A_22 = arith.constant 0 : index
    %get3A_23 = vector.load %arg3[%get3A_21, %get3A_22] : memref<1000x64xf32, #tpu.memory_space<vmem>>, vector<1000x64xf32>
    %add3A_24 = arith.addf %mul3A_20, %get3A_23 : vector<1000x64xf32>
    %swap3A = arith.constant 0 : index
    %swap3A_25 = arith.constant 0 : index
    %swap3A_26 = vector.load %arg4[%swap3A, %swap3A_25] : memref<1000x64xf32, #tpu.memory_space<vmem>>, vector<1000x64xf32>
    tpu.vector_store %arg4[%swap3A, %swap3A_25], %add3A_24 {strides = array<i32>} : memref<1000x64xf32, #tpu.memory_space<vmem>>, vector<1000x64xf32>,
    return
  }
  func.func @transform_0(%arg0: i32) -> (i32, i32, i32) {
    %c0_i32 = arith.constant 0 : i32
    %c0_i32_0 = arith.constant 0 : i32
    %c0_i32_1 = arith.constant 0 : i32
    return %c0_i32, %arg0, %c0_i32_0 : i32, i32, i32
  }
  func.func @transform_1(%arg0: i32) -> (i32, i32) {
    %c0_i32 = arith.constant 0 : i32
    %c0_i32_0 = arith.constant 0 : i32
    return %arg0, %c0_i32 : i32, i32
  }
  func.func @transform_2(%arg0: i32) -> (i32, i32) {
    %c0_i32 = arith.constant 0 : i32
    %c0_i32_0 = arith.constant 0 : i32
    return %arg0, %c0_i32 : i32, i32
  }
  func.func @transform_3(%arg0: i32) -> (i32, i32) {
    %c0_i32 = arith.constant 0 : i32
    %c0_i32_0 = arith.constant 0 : i32
    return %arg0, %c0_i32 : i32, i32
  }
}

</mosaic_0001>

<sc_bundles>
// kernel: kernel.12.cloned.1.call-start
scs
__scs_entry_jumppad:
0x0: {  	(pc) =	sbr.rel $0x88, $3  }
0x1: {  	(tag) =	ssettag $0x0;
	lr =	simm.s32 $0x1  }
0x2: {  	[smem:$0x3F94] =	sst lr;
	_ =	strace $0xD0000000  }
0x3: {  	_ = 	snop  }
0x4: {  	_ = 	snop  }
0x5: {  	_ = 	snop  }
0x6: {  	_ = 	snop  }
0x7: {  	_ = 	snop  }
__scs_overlays_trampoline_lowered:
0x8: {  	[smem:$0x3FA3] =	sst s0  }
0x9: {  	[smem:$0x3FA4] =	sst s1  }
0xa: {  	[smem:$0x3FA5] =	sst s2  }
0xb: {  	[smem:$0x3FA6] =	sst s3  }
0xc: {  	[smem:$0x3FA7] =	sst s4  }
0xd: {  	[smem:$0x3FA8] =	sst s5  }
0xe: {  	[smem:$0x3FA9] =	sst s6  }
0xf: {  	[smem:$0x3FAA] =	sst s7  }
0x10: {  	[smem:$0x3FAB] =	sst s8  }
0x11: {  	[smem:$0x3FAC] =	sst s9;
	s0 =	simm.s32 @!p0 $0x0  }
0x12: {  	s1 =	sld [smem:$0x3F92];
	s0 =	simm.s32 @p0 $0x1  }
0x13: {  	[smem:$0x3FAD] =	sst s0;
	s0 =	simm.s32 @!p1 $0x0  }
0x14: {  	s2 =	sld [smem:$0x3F91];
	s0 =	simm.s32 @p1 $0x1  }
0x15: {  	[smem:$0x3FAE] =	sst s0;
	s0 =	simm.s32 @!p2 $0x0  }
0x16: {  	s3 =	sld [smem:$0x3FDB];
	s0 =	simm.s32 @p2 $0x1  }
0x17: {  	s4 =	simm.s32 $0x1BF5;
	[smem:$0x3FB0] =	sst s0  }
0x18: {  	s0 =	sld [smem:$0x3F93];
	_ =	swait.ge [sflag:s4], $0x0  }
0x19: {  	s7 =	sld [smem:$0x3F94]  }
0x1a: {  	s8 =	sadd.s32 $0xFFFFE003, lr  }
0x1b: {  	s9 =	sadd.s32 $0xFFFFFEF7, lr;
	s5 =	simm.s32 $0xFFFFFFFF;
	p2 =	slt.u32 s8, $0xFFFFF086  }
0x1c: {  	p1 =	slt.u32 s9, $0xF7A;
	s5 =	simm.s32 @!p2 $0x0  }
0x1d: {  	s5 =	simm.s32 @p1 $0x1;
	p0 =	seq.s32 s7, s2  }
0x1e: {  	s7 =	smul.u32 @!p0 $0xF7A, s2;
	p2 =	seq.s32 @!p0 s5, $0x0  }
0x1f: {  	s9 =	smul.u32 $0xF7A, s1;
	s8 =	simm.s32 @!p0 $0x1BF5;
	p2 =	por !p2, p0  }
0x20: {  	[sflag:s8] =	ssyncset.s32 @!p0 $0xFFFFF086;
	s6 =	sadd.s32 @!p0 s3, s7;
	s7 =	simm.s32 @!p0 $0x108  }
0x21: {  	s3 =	sadd.s32 s3, s9;
	s6 =	sadd.s32 @!p0 $0x88, s6;
	s7 =	simm.s32 @p2 $0x1082  }
0x22: {  	[simem:s7], [sflag:s8] =	dma.local @!p0 [hbm:s6], $0xF7A  }
0x23: {  	s9 =	sor.u32 $0xD0000000, s2;
	s6 =	simm.s32 $0x108;
	_ =	swait.ge @!p0 [sflag:s8], $0x0  }
0x24: {  	s3 =	sadd.s32 $0x88, s3;
	s6 =	simm.s32 @!p1 $0x1082;
	[sflag:s4] =	ssyncset.s32 $0xFFFFF086  }
0x25: {  	[simem:s6], [sflag:s4] =	dma.local [hbm:s3], $0xF7A  }
0x26: {  	[smem:$0x3F94] =	sst s1;
	(tag) =	ssettag s2;
	_ =	strace s9  }
0x27: {  	s1 =	sld [smem:$0x3FA4]  }
0x28: {  	s2 =	sld [smem:$0x3FA5]  }
0x29: {  	s4 =	sld [smem:$0x3FA7]  }
0x2a: {  	p0 =	seq.s32 s5, $0x0;
	s5 =	sld [smem:$0x3FA8]  }
0x2b: {  	s6 =	sld [smem:$0x3FA9]  }
0x2c: {  	s7 =	sld [smem:$0x3FAA]  }
0x2d: {  	s3 =	simm.s32 $0x108;
	s8 =	sld [smem:$0x3FAB]  }
0x2e: {  	s3 =	simm.s32 @!p0 $0x1082;
	s9 =	sld [smem:$0x3FAC]  }
0x2f: {  	lr =	sadd.s32 s0, s3;
	s0 =	sld [smem:$0x3FA3]  }
0x30: {  	s3 =	sld [smem:$0x3FA6]  }
0x31: {  	[smem:$0x3FAF] =	sst s10  }
0x32: {  	s10 =	sld [smem:$0x3FAD];
	_ =	sdelay $0x3  }
0x33: {  	p0 =	seq.s32 s10, $0x1;
	s10 =	sld [smem:$0x3FAF];
	_ =	sdelay $0x3  }
0x34: {  	[smem:$0x3FAF] =	sst s10  }
0x35: {  	s10 =	sld [smem:$0x3FAE];
	_ =	sdelay $0x3  }
0x36: {  	p1 =	seq.s32 s10, $0x1;
	s10 =	sld [smem:$0x3FAF];
	_ =	sdelay $0x3  }
0x37: {  	[smem:$0x3FAF] =	sst s10  }
0x38: {  	s10 =	sld [smem:$0x3FB0]  }
0x39: {  	_ = 	snop;
	(pc) =	sbr.ind lr, $3  }
0x3a: {  	_ = 	snop  }
0x3b: {  	_ = 	snop  }
0x3c: {  	p2 =	seq.s32 s10, $0x1;
	s10 =	sld [smem:$0x3FAF]  }
0x3d: {  	_ =	shalt  }
0x3e: {  	_ =	shalt  }
0x3f: {  	_ =	shalt  }
0x40: {  	_ =	shalt  }
0x41: {  	_ =	shalt  }
0x42: {  	_ =	shalt  }
0x43: {  	_ =	shalt  }
0x44: {  	_ =	shalt  }
0x45: {  	_ =	shalt  }
0x46: {  	_ =	shalt  }
0x47: {  	_ =	shalt  }
0x48: {  	_ =	shalt  }
0x49: {  	_ =	shalt  }
0x4a: {  	_ =	shalt  }
0x4b: {  	_ =	shalt  }
0x4c: {  	_ =	shalt  }
0x4d: {  	_ =	shalt  }
0x4e: {  	_ =	shalt  }
0x4f: {  	_ =	shalt  }
0x50: {  	_ =	shalt  }
0x51: {  	_ =	shalt  }
0x52: {  	_ =	shalt  }
0x53: {  	_ =	shalt  }
0x54: {  	_ =	shalt  }
0x55: {  	_ =	shalt  }
0x56: {  	_ =	shalt  }
0x57: {  	_ =	shalt  }
0x58: {  	_ =	shalt  }
0x59: {  	_ =	shalt  }
0x5a: {  	_ =	shalt  }
0x5b: {  	_ =	shalt  }
0x5c: {  	_ =	shalt  }
0x5d: {  	_ =	shalt  }
0x5e: {  	_ =	shalt  }
0x5f: {  	_ =	shalt  }
0x60: {  	_ =	shalt  }
0x61: {  	_ =	shalt  }
0x62: {  	_ =	shalt  }
0x63: {  	_ =	shalt  }
0x64: {  	_ =	shalt  }
0x65: {  	_ =	shalt  }
0x66: {  	_ =	shalt  }
0x67: {  	_ =	shalt  }
0x68: {  	_ =	shalt  }
0x69: {  	_ =	shalt  }
0x6a: {  	_ =	shalt  }
0x6b: {  	_ =	shalt  }
0x6c: {  	_ =	shalt  }
0x6d: {  	_ =	shalt  }
0x6e: {  	_ =	shalt  }
0x6f: {  	_ =	shalt  }
0x70: {  	_ =	shalt  }
0x71: {  	_ =	shalt  }
0x72: {  	_ =	shalt  }
0x73: {  	_ =	shalt  }
0x74: {  	_ =	shalt  }
0x75: {  	_ =	shalt  }
0x76: {  	_ =	shalt  }
0x77: {  	_ =	shalt  }
0x78: {  	_ =	shalt  }
0x79: {  	_ =	shalt  }
0x7a: {  	_ =	shalt  }
0x7b: {  	_ =	shalt  }
0x7c: {  	_ =	shalt  }
0x7d: {  	_ =	shalt  }
0x7e: {  	_ =	shalt  }
0x7f: {  	_ =	shalt  }
0x80: {  	_ =	shalt  }
0x81: {  	_ =	shalt  }
0x82: {  	_ =	shalt  }
0x83: {  	_ =	shalt  }
0x84: {  	_ =	shalt  }
0x85: {  	_ =	shalt  }
0x86: {  	_ =	shalt  }
0x87: {  	_ =	shalt  }
.Lfunc_end0:
.L_simem_size_0:
called_computation.1_lowered:
.L_overlay_start_0:
0x88: {  	s2 =	sld [smem:$0x3FD9]  }
0x89: {  	s3 =	sld [smem:$0x3FFE];
	_ =	sdelay $0x1  }
0x8a: {  	s1 =	srdreg.scid  }
0x8b: {  	s0 =	sand.u32 $0x1, s1  }
0x8c: {  	s17 =	sshll.u32 s0, $0xA;
	s2 =	sadd.s32 s3, s2  }
0x8d: {  	s2 =	sadd.s32 s2, s17  }
0x8e: {  	[smem:$0x3FBB] =	sst s2  }
0x8f: {  	_ = 	snop  }
0x90: {  	s2 =	sld [smem:$0x3FD0];
	(tm) =	ssettm $0x1  }
0x91: {  	s18 =	sld [smem:$0x3FFB];
	_ =	sdelay $0x3  }
0x92: {  	_ =	strace s18  }
0x93: {  	s3 =	sld [smem:$0x3FFC];
	_ =	sdelay $0x3  }
0x94: {  	_ =	strace s3  }
0x95: {  	s3 =	sld [smem:$0x3FFD];
	_ =	sdelay $0x3  }
0x96: {  	_ =	strace s3  }
0x97: {  	_ =	strace $0x8FFFFFFF  }
0x98: {  	s19 =	sld [smem:$0x3FDB];
	_ =	sdelay $0x1  }
0x99: {  	s4 =	simm.s32 $_scs_section_size  }
0x9a: {  	s5 =	simm.s32 $_size__tile_overlayer_lowered;
	s6 =	simm.s32 $_tile_overlayer_lowered  }
0x9b: {  	s22 =	simm.s32 $0x1BFF;
	s21 =	sshll.u32 s6, $0x1;
	s3 =	sadd.s32 s4, s19  }
0x9c: {  	s7 =	simm.s32 $0x0;
	s20 =	sshll.u32 s5, $0x1;
	s5 =	sadd.s32 s21, s3  }
0x9d: {  	[timem:s7], [sflag:s22] =	dma.local [hbm:s5], s20  }
0x9e: {  	_ =	swait.ge [sflag:s22], s20  }
0x9f: {  	s4 =	ssub.s32 $0x0, s20;
	[sflag:s22] =	ssyncset.done $0x0  }
0xa0: {  	[sflag:s22] =	ssyncadd.s32 s4;
	_ =	sdelay $0x1  }
0xa1: {  	s23 =	simm.s32 $0x1B8B  }
0xa2: {  	_ =	swait.ge [sflag:s23], $0x1  }
0xa3: {  	[sflag:s23] =	ssyncset.done $0x0  }
0xa4: {  	s25 =	simm.s32 $0x1B8E;
	s24 =	sld [smem:$0x3FFE];
	[sflag:s23] =	ssyncadd.s32 $0xFFFFFFFF  }
0xa5: {  	s26 =	simm.s32 $execute0_lowered;
	[smem:$0x3FD2] =	sst s25  }
0xa6: {  	s5 =	sshll.u32 s26, $0x1;
	_ =	strace $0x80000049;
	[dreg:$0x1] =	wrdreg $0xFFFFFFFF  }
0xa7: {  	s28 =	simm.s32 $_size_execute0_lowered;
	s3 =	sadd.s32 s3, s5;
	[dreg:$0x0] =	wrdreg $0x0  }
0xa8: {  	s5 =	sshll.u32 s28, $0x1;
	[dreg:$0x2] =	wrdreg s3  }
0xa9: {  	[dreg:$0x3] =	wrdreg s5  }
0xaa: {  	[dreg:$0x4] =	wrdreg $0xC0  }
0xab: {  	_ =	task [dreg:s7], $0x5FFFF  }
0xac: {  	[dreg:$0x1] =	wrdreg $0xFFFFFFFF  }
0xad: {  	[dreg:$0x0] =	wrdreg $0x60  }
0xae: {  	[dreg:$0x2] =	wrdreg s24  }
0xaf: {  	[dreg:$0x3] =	wrdreg s2  }
0xb0: {  	[dreg:$0x4] =	wrdreg $0x150000  }
0xb1: {  	[dreg:$0x5] =	wrdreg $0x9  }
0xb2: {  	_ =	task.clear_ibuf [dreg:s7], $0x6FFFF;
	_ =	strace $0x90000049  }
0xb3: {  	s29 =	simm.s32 $0x9;
	_ =	strace $0x8000004B  }
0xb4: {  	_ =	swait.ge [sflag:s29], $0x1  }
0xb5: {  	[sflag:s29] =	ssyncadd.s32 $0xFFFFFFFF  }
0xb6: {  	_ =	strace $0x9000004B  }
0xb7: {  	_ =	sfence  }
0xb8: {  	s30 =	sld [smem:$0x0];
	_ =	sdelay $0x2  }
0xb9: {  	s31 =	sshll.u32 s1, $0xD;
	s1 =	sshrl.u32 s1, $0x2  }
0xba: {  	s3 =	sand.u32 $0x4000, s31;
	s1 =	sadd.s32 s1, s30  }
0xbb: {  	s0 =	sor.u32 s3, s0;
	s1 =	sshll.u32 s1, $0x11  }
0xbc: {  	s0 =	sor.u32 s1, s0  }
0xbd: {  	s0 =	sadd.s32 $0x8F2B, s0  }
0xbe: {  	[sflag:s0] =	ssyncadd.remote.s32 $0x1  }
0xbf: {  	_ =	sfence.sel $0xFFFF  }
0xc0: {  	[dreg:$0x0] =	wrdreg $0xFFFFFFFF;
	(pc) =	sbr.abs _section_cstart, $3  }
0xc1: {  	[dreg:$0x1] =	wrdreg $0xFFFFFFFF  }
0xc2: {  	_ =	task.clear_ibuf [dreg:s7], $0x2FFFF;
	_ =	strace $0x9FFFFFFF  }
0xc3: {  	(tm) =	ssettm $0x7FFFFFFF  }
tec
execute0_lowered:
.L_overlay_start_1:
0x0: {  	(tag) =	ssettag $0x1  }
0x1: {  	s0 =	rddreg [dreg:$0x0]  }
0x2: {  	s1 =	srdreg.scid;
	s2 =	rddreg [dreg:$0x1]  }
0x3: {  	s3 =	rddreg [dreg:$0x2];
	s19 =	stileid.u32  }
0x4: {  	s4 =	simm.s32 $0x0;
	s12 =	simm.s32 $0x9;
	s13 =	simm.s32 $0x2800  }
0x5: {  	s16 =	simm.s32 $0x100;
	s17 =	simm.s32 $0x5000;
	s18 =	simm.s32 $0x9000  }
0x6: {  	s20 =	simm.s32 $0xD000;
	s21 =	simm.s32 $0x1;
	s23 =	simm.s32 $0x11000  }
0x7: {  	s28 =	simm.s32 $0x5;
	s30 =	simm.s32 $0x3;
	s29 =	simm.s32 $0x8  }
0x8: {  	s31 =	simm.s32 $0x0;
	s1 =	sand.u32 $0x1, s1;
	[smem:$0x7FF] =	sst s4  }
0x9: {  	s8 =	smul.u32 $0xA000, s19;
	s24 =	sadd.s32 $0x16C00, s0;
	s26 =	sshll.u32 s19, $0x6  }
0xa: {  	p0 =	seq.s32 s19, $0xF;
	s5 =	sshll.u32 s1, $0x4;
	_ =	strace $0x8000004A  }
0xb: {  	s6 =	ssub.s32 $0x2, s1;
	s1 =	smul.u32 $0x9C400, s1;
	[dreg:$0x4] =	wrdreg s24  }
0xc: {  	s14 =	sor.u32 $0x1C09, s26;
	s24 =	simm.s32 $0x2;
	s26 =	simm.s32 $0x7  }
0xd: {  	s5 =	sor.u32 s19, s5;
	s9 =	sshrl.u32 s6, $0x1;
	s19 =	simm.s32 $0x4  }
0xe: {  	s5 =	smul.u32 $0x500, s5;
	s11 =	ssub.s32 s6, s9;
	s25 =	sadd.s32 s8, s1  }
0xf: {  	s1 =	sshrl.u32 s1, $0x3;
	s8 =	sadd.s32 s8, s3;
	s9 =	sshrl.u32 s25, $0x3  }
0x10: {  	s11 =	smax.u32 s11, $0x1;
	s15 =	sshrl.u32 s8, $0x3;
	s7 =	sadd.s32 s5, s0  }
0x11: {  	s0 =	sadd.s32 $0x18000, s0;
	s6 =	sadd.s32 $0x2C00, s7;
	s7 =	sadd.s32 $0xCC00, s7  }
0x12: {  	s1 =	sadd.s32 s0, s1;
	s9 =	sadd.s32 s0, s9;
	s0 =	sadd.s32 $0x96000, s3  }
0x13: {  	s10 =	sadd.s32 $0x12C00, s1;
	s25 =	sshrl.u32 @p0 s0, $0x3;
	s0 =	simm.s32 $0x6  }
.LBB2_1:
0x14: {  	[tilespmem:s4], [sflag:$0x9] =	stream.linear.gather [hbm4b:s6+s4], $0x2800, $0x38;
	[tilespmem:$0x1F000] =	vst v63  }
0x15: {  	_ =	swait.ge [sflag:s12], $0x2800  }
0x16: {  	[sflag:s12] =	ssyncset.done $0x0  }
0x17: {  	[sflag:s12] =	ssyncadd.s32 $0xFFFFD800  }
0x18: {  	[tilespmem:s13], [sflag:$0x9] =	stream.linear.gather [hbm4b:s7+s4], $0x2800, $0x38;
	[tilespmem:$0x1F000] =	vst v63  }
0x19: {  	_ =	swait.ge [sflag:s12], $0x2800  }
0x1a: {  	[sflag:s12] =	ssyncset.done $0x0  }
0x1b: {  	s1 =	rddreg [dreg:$0x4];
	[sflag:s12] =	ssyncadd.s32 $0xFFFFD800  }
0x1c: {  	[spmem:s15], [sflag:s14] =	dma.local [hbm:s1], $0x1400  }
0x1d: {  	_ =	swait.ge [sflag:s12], $0x1400  }
0x1e: {  	[sflag:s12] =	ssyncset.done $0x0  }
0x1f: {  	[sflag:s12] =	ssyncadd.s32 $0xFFFFEC00  }
0x20: {  	[bflag:$0x0] =	sbarrier.arrive $0xFFFF  }
0x21: {  	[tilespmem:s17], [sflag:$0x1] =	stream.indirect.gather [hbm4b:s2+s16], $0x40, s4, s16, $0xb8;
	[tilespmem:$0x1F000] =	vst v63  }
0x22: {  	_ = 	snop  }
0x23: {  	[tilespmem:s18], [sflag:$0x2] =	stream.indirect.gather [hbm4b:s2+s16], $0x40, s16, s16, $0xb8;
	[tilespmem:$0x1F000] =	vst v63  }
0x24: {  	s5 =	simm.s32 $0x200  }
0x25: {  	[tilespmem:s20], [sflag:$0x3] =	stream.indirect.gather [hbm4b:s2+s16], $0x40, s5, s16, $0xb8;
	[tilespmem:$0x1F000] =	vst v63  }
0x26: {  	_ =	swait.ge [sflag:s21], $0x4000  }
0x27: {  	[sflag:s21] =	ssyncset.done $0x0  }
0x28: {  	[sflag:s21] =	ssyncadd.s32 $0xFFFFC000  }
0x29: {  	[spmem:s3] =	stream.indirect.scatter.add.f32 [tilespmem:s17], [sflag:$0x5], $0x40, s13, s16, $0xb8;
	[tilespmem:$0x1F000] =	vst v63  }
0x2a: {  	s22 =	simm.s32 $0x300  }
0x2b: {  	[tilespmem:s23], [sflag:$0x4] =	stream.indirect.gather [hbm4b:s2+s16], $0x40, s22, s16, $0xb8;
	[tilespmem:$0x1F000] =	vst v63  }
0x2c: {  	_ =	swait.ge [sflag:s24], $0x4000  }
0x2d: {  	[sflag:s24] =	ssyncset.done $0x0  }
0x2e: {  	s5 =	simm.s32 $0x2900;
	[sflag:s24] =	ssyncadd.s32 $0xFFFFC000  }
0x2f: {  	[spmem:s3] =	stream.indirect.scatter.add.f32 [tilespmem:s18], [sflag:$0x6], $0x40, s5, s16, $0xb8;
	[tilespmem:$0x1F000] =	vst v63  }
0x30: {  	_ =	swait.ge [sflag:s28], $0x4000  }
0x31: {  	[sflag:s28] =	ssyncset.done $0x0  }
0x32: {  	s22 =	simm.s32 $0x400;
	[sflag:s28] =	ssyncadd.s32 $0xFFFFC000  }
0x33: {  	[tilespmem:s17], [sflag:$0x1] =	stream.indirect.gather [hbm4b:s2+s16], $0x40, s22, s16, $0xb8;
	[tilespmem:$0x1F000] =	vst v63  }
0x34: {  	_ =	swait.ge [sflag:s30], $0x4000  }
0x35: {  	[sflag:s30] =	ssyncset.done $0x0  }
0x36: {  	s5 =	simm.s32 $0x2A00;
	[sflag:s30] =	ssyncadd.s32 $0xFFFFC000  }
0x37: {  	[spmem:s3] =	stream.indirect.scatter.add.f32 [tilespmem:s20], [sflag:$0x7], $0x40, s5, s16, $0xb8;
	[tilespmem:$0x1F000] =	vst v63  }
0x38: {  	_ =	swait.ge [sflag:s0], $0x4000  }
0x39: {  	[sflag:s0] =	ssyncset.done $0x0  }
0x3a: {  	s22 =	simm.s32 $0x500;
	[sflag:s0] =	ssyncadd.s32 $0xFFFFC000  }
0x3b: {  	[tilespmem:s18], [sflag:$0x2] =	stream.indirect.gather [hbm4b:s2+s16], $0x40, s22, s16, $0xb8;
	[tilespmem:$0x1F000] =	vst v63  }
0x3c: {  	_ =	swait.ge [sflag:s19], $0x4000  }
0x3d: {  	[sflag:s19] =	ssyncset.done $0x0  }
0x3e: {  	s5 =	simm.s32 $0x2B00;
	[sflag:s19] =	ssyncadd.s32 $0xFFFFC000  }
0x3f: {  	[spmem:s3] =	stream.indirect.scatter.add.f32 [tilespmem:s23], [sflag:$0x8], $0x40, s5, s16, $0xb8;
	[tilespmem:$0x1F000] =	vst v63  }
0x40: {  	_ =	swait.ge [sflag:s26], $0x4000  }
0x41: {  	[sflag:s26] =	ssyncset.done $0x0  }
0x42: {  	s22 =	simm.s32 $0x600;
	[sflag:s26] =	ssyncadd.s32 $0xFFFFC000  }
0x43: {  	[tilespmem:s20], [sflag:$0x3] =	stream.indirect.gather [hbm4b:s2+s16], $0x40, s22, s16, $0xb8;
	[tilespmem:$0x1F000] =	vst v63  }
0x44: {  	_ =	swait.ge [sflag:s21], $0x4000  }
0x45: {  	[sflag:s21] =	ssyncset.done $0x0  }
0x46: {  	s5 =	simm.s32 $0x2C00;
	[sflag:s21] =	ssyncadd.s32 $0xFFFFC000  }
0x47: {  	[spmem:s3] =	stream.indirect.scatter.add.f32 [tilespmem:s17], [sflag:$0x5], $0x40, s5, s16, $0xb8;
	[tilespmem:$0x1F000] =	vst v63  }
0x48: {  	_ =	swait.ge [sflag:s29], $0x4000  }
0x49: {  	[sflag:s29] =	ssyncset.done $0x0  }
0x4a: {  	s22 =	simm.s32 $0x700;
	[sflag:s29] =	ssyncadd.s32 $0xFFFFC000  }
0x4b: {  	[tilespmem:s23], [sflag:$0x4] =	stream.indirect.gather [hbm4b:s2+s16], $0x40, s22, s16, $0xb8;
	[tilespmem:$0x1F000] =	vst v63  }
0x4c: {  	_ =	swait.ge [sflag:s24], $0x4000  }
0x4d: {  	[sflag:s24] =	ssyncset.done $0x0  }
0x4e: {  	s5 =	simm.s32 $0x2D00;
	[sflag:s24] =	ssyncadd.s32 $0xFFFFC000  }
0x4f: {  	[spmem:s3] =	stream.indirect.scatter.add.f32 [tilespmem:s18], [sflag:$0x6], $0x40, s5, s16, $0xb8;
	[tilespmem:$0x1F000] =	vst v63  }
0x50: {  	_ =	swait.ge [sflag:s28], $0x4000  }
0x51: {  	[sflag:s28] =	ssyncset.done $0x0  }
0x52: {  	s22 =	simm.s32 $0x800;
	[sflag:s28] =	ssyncadd.s32 $0xFFFFC000  }
0x53: {  	[tilespmem:s17], [sflag:$0x1] =	stream.indirect.gather [hbm4b:s2+s16], $0x40, s22, s16, $0xb8;
	[tilespmem:$0x1F000] =	vst v63  }
0x54: {  	_ =	swait.ge [sflag:s30], $0x4000  }
0x55: {  	[sflag:s30] =	ssyncset.done $0x0  }
0x56: {  	s5 =	simm.s32 $0x2E00;
	[sflag:s30] =	ssyncadd.s32 $0xFFFFC000  }
0x57: {  	[spmem:s3] =	stream.indirect.scatter.add.f32 [tilespmem:s20], [sflag:$0x7], $0x40, s5, s16, $0xb8;
	[tilespmem:$0x1F000] =	vst v63  }
0x58: {  	_ =	swait.ge [sflag:s0], $0x4000  }
0x59: {  	[sflag:s0] =	ssyncset.done $0x0  }
0x5a: {  	s22 =	simm.s32 $0x900;
	[sflag:s0] =	ssyncadd.s32 $0xFFFFC000  }
0x5b: {  	[tilespmem:s18], [sflag:$0x2] =	stream.indirect.gather [hbm4b:s2+s16], $0x40, s22, s16, $0xb8;
	[tilespmem:$0x1F000] =	vst v63  }
0x5c: {  	_ =	swait.ge [sflag:s19], $0x4000  }
0x5d: {  	[sflag:s19] =	ssyncset.done $0x0  }
0x5e: {  	s1 =	simm.s32 $0x1000;
	s22 =	simm.s32 $0x2F00;
	[sflag:s19] =	ssyncadd.s32 $0xFFFFC000  }
.LBB2_2:
0x5f: {  	[spmem:s3] =	stream.indirect.scatter.add.f32 [tilespmem:s23], [sflag:$0x8], $0x40, s22, s16, $0xb8;
	[tilespmem:$0x1F000] =	vst v63  }
0x60: {  	s22 =	smov.u32 s1  }
0x61: {  	p1 =	sne.s32 s1, $0x7000;
	s1 =	sadd.s32 $0x1000, s1;
	_ =	swait.ge [sflag:s26], $0x4000  }
0x62: {  	s22 =	sshra.s32 s22, $0x2;
	[sflag:s26] =	ssyncset.done $0x0  }
0x63: {  	s5 =	sadd.s32 $0x600, s22;
	[sflag:s26] =	ssyncadd.s32 $0xFFFFC000  }
0x64: {  	[tilespmem:s20], [sflag:$0x3] =	stream.indirect.gather [hbm4b:s2+s16], $0x40, s5, s16, $0xb8;
	[tilespmem:$0x1F000] =	vst v63  }
0x65: {  	_ =	swait.ge [sflag:s21], $0x4000  }
0x66: {  	[sflag:s21] =	ssyncset.done $0x0  }
0x67: {  	s5 =	sadd.s32 $0x2C00, s22;
	[sflag:s21] =	ssyncadd.s32 $0xFFFFC000  }
0x68: {  	[spmem:s3] =	stream.indirect.scatter.add.f32 [tilespmem:s17], [sflag:$0x5], $0x40, s5, s16, $0xb8;
	[tilespmem:$0x1F000] =	vst v63  }
0x69: {  	_ =	swait.ge [sflag:s29], $0x4000  }
0x6a: {  	[sflag:s29] =	ssyncset.done $0x0  }
0x6b: {  	s5 =	sadd.s32 $0x700, s22;
	[sflag:s29] =	ssyncadd.s32 $0xFFFFC000  }
0x6c: {  	[tilespmem:s23], [sflag:$0x4] =	stream.indirect.gather [hbm4b:s2+s16], $0x40, s5, s16, $0xb8;
	[tilespmem:$0x1F000] =	vst v63  }
0x6d: {  	_ =	swait.ge [sflag:s24], $0x4000  }
0x6e: {  	[sflag:s24] =	ssyncset.done $0x0  }
0x6f: {  	s5 =	sadd.s32 $0x2D00, s22;
	[sflag:s24] =	ssyncadd.s32 $0xFFFFC000  }
0x70: {  	[spmem:s3] =	stream.indirect.scatter.add.f32 [tilespmem:s18], [sflag:$0x6], $0x40, s5, s16, $0xb8;
	[tilespmem:$0x1F000] =	vst v63  }
0x71: {  	_ =	swait.ge [sflag:s28], $0x4000  }
0x72: {  	[sflag:s28] =	ssyncset.done $0x0  }
0x73: {  	s5 =	sadd.s32 $0x800, s22;
	[sflag:s28] =	ssyncadd.s32 $0xFFFFC000  }
0x74: {  	[tilespmem:s17], [sflag:$0x1] =	stream.indirect.gather [hbm4b:s2+s16], $0x40, s5, s16, $0xb8;
	[tilespmem:$0x1F000] =	vst v63  }
0x75: {  	_ =	swait.ge [sflag:s30], $0x4000  }
0x76: {  	[sflag:s30] =	ssyncset.done $0x0  }
0x77: {  	s5 =	sadd.s32 $0x2E00, s22;
	[sflag:s30] =	ssyncadd.s32 $0xFFFFC000  }
0x78: {  	[spmem:s3] =	stream.indirect.scatter.add.f32 [tilespmem:s20], [sflag:$0x7], $0x40, s5, s16, $0xb8;
	[tilespmem:$0x1F000] =	vst v63  }
0x79: {  	_ =	swait.ge [sflag:s0], $0x4000  }
0x7a: {  	[sflag:s0] =	ssyncset.done $0x0  }
.Ltmp0:
0x7b: {  	s5 =	sadd.s32 $0x900, s22;
	[sflag:s0] =	ssyncadd.s32 $0xFFFFC000;
	(pc) =	sbr.rel @p1 .LBB2_2-.Ltmp0, $4  }
0x7c: {  	[tilespmem:s18], [sflag:$0x2] =	stream.indirect.gather [hbm4b:s2+s16], $0x40, s5, s16, $0xb8;
	[tilespmem:$0x1F000] =	vst v63  }
0x7d: {  	_ =	swait.ge [sflag:s19], $0x4000  }
0x7e: {  	[sflag:s19] =	ssyncset.done $0x0  }
0x7f: {  	s22 =	sadd.s32 $0x2F00, s22;
	[sflag:s19] =	ssyncadd.s32 $0xFFFFC000  }
0x80: {  	[spmem:s3] =	stream.indirect.scatter.add.f32 [tilespmem:s23], [sflag:$0x8], $0x40, s22, s16, $0xb8;
	[tilespmem:$0x1F000] =	vst v63  }
0x81: {  	_ =	swait.ge [sflag:s26], $0x4000  }
0x82: {  	[sflag:s26] =	ssyncset.done $0x0  }
0x83: {  	s1 =	simm.s32 $0x2600;
	[sflag:s26] =	ssyncadd.s32 $0xFFFFC000  }
0x84: {  	[tilespmem:s20], [sflag:$0x3] =	stream.indirect.gather [hbm4b:s2+s16], $0x40, s1, s16, $0xb8;
	[tilespmem:$0x1F000] =	vst v63  }
0x85: {  	_ =	swait.ge [sflag:s21], $0x4000  }
0x86: {  	[sflag:s21] =	ssyncset.done $0x0  }
0x87: {  	s22 =	simm.s32 $0x4C00;
	[sflag:s21] =	ssyncadd.s32 $0xFFFFC000  }
0x88: {  	[spmem:s3] =	stream.indirect.scatter.add.f32 [tilespmem:s17], [sflag:$0x5], $0x40, s22, s16, $0xb8;
	[tilespmem:$0x1F000] =	vst v63  }
0x89: {  	_ =	swait.ge [sflag:s29], $0x4000  }
0x8a: {  	[sflag:s29] =	ssyncset.done $0x0  }
0x8b: {  	s5 =	simm.s32 $0x2700;
	[sflag:s29] =	ssyncadd.s32 $0xFFFFC000  }
0x8c: {  	[tilespmem:s23], [sflag:$0x4] =	stream.indirect.gather [hbm4b:s2+s16], $0x40, s5, s16, $0xb8;
	[tilespmem:$0x1F000] =	vst v63  }
0x8d: {  	_ =	swait.ge [sflag:s24], $0x4000  }
0x8e: {  	[sflag:s24] =	ssyncset.done $0x0  }
0x8f: {  	s22 =	simm.s32 $0x4D00;
	[sflag:s24] =	ssyncadd.s32 $0xFFFFC000  }
0x90: {  	[spmem:s3] =	stream.indirect.scatter.add.f32 [tilespmem:s18], [sflag:$0x6], $0x40, s22, s16, $0xb8;
	[tilespmem:$0x1F000] =	vst v63  }
0x91: {  	_ =	swait.ge [sflag:s28], $0x4000  }
0x92: {  	[sflag:s28] =	ssyncset.done $0x0  }
0x93: {  	[sflag:s28] =	ssyncadd.s32 $0xFFFFC000  }
0x94: {  	_ =	swait.ge [sflag:s30], $0x4000  }
0x95: {  	[sflag:s30] =	ssyncset.done $0x0  }
0x96: {  	s5 =	simm.s32 $0x4E00;
	[sflag:s30] =	ssyncadd.s32 $0xFFFFC000  }
0x97: {  	[spmem:s3] =	stream.indirect.scatter.add.f32 [tilespmem:s20], [sflag:$0x7], $0x40, s5, s16, $0xb8;
	[tilespmem:$0x1F000] =	vst v63  }
0x98: {  	_ =	swait.ge [sflag:s0], $0x4000  }
0x99: {  	[sflag:s0] =	ssyncset.done $0x0  }
0x9a: {  	[sflag:s0] =	ssyncadd.s32 $0xFFFFC000  }
0x9b: {  	_ =	swait.ge [sflag:s19], $0x4000  }
0x9c: {  	[sflag:s19] =	ssyncset.done $0x0  }
0x9d: {  	s22 =	simm.s32 $0x4F00;
	[sflag:s19] =	ssyncadd.s32 $0xFFFFC000  }
0x9e: {  	[spmem:s3] =	stream.indirect.scatter.add.f32 [tilespmem:s23], [sflag:$0x8], $0x40, s22, s16, $0xb8;
	[tilespmem:$0x1F000] =	vst v63  }
0x9f: {  	_ =	swait.ge [sflag:s26], $0x4000  }
0xa0: {  	[sflag:s26] =	ssyncset.done $0x0  }
0xa1: {  	[sflag:s26] =	ssyncadd.s32 $0xFFFFC000  }
0xa2: {  	_ =	swait.ge [sflag:s29], $0x4000  }
0xa3: {  	[sflag:s29] =	ssyncset.done $0x0  }
0xa4: {  	[sflag:s29] =	ssyncadd.s32 $0xFFFFC000  }
0xa5: {  	s1 =	simm.s32 @p0 $0x9;
	[bflag:$0x0] =	sbarrier.arrive $0xFFFF  }
0xa6: {  	[hbm:s10], [sflag:s14] =	dma.local @p0 [spmem:s25], $0xC80  }
0xa7: {  	_ =	swait.ge @p0 [sflag:s1], $0xC80  }
0xa8: {  	s31 =	sadd.s32 $0x1, s31;
	[sflag:s1] =	ssyncset.done @p0 $0x0  }
0xa9: {  	p1 =	sne.s32 s31, s11;
	[sflag:s1] =	ssyncadd.s32 @p0 $0xFFFFF380;
	s1 =	sshrl.u32 @!p0 s8, $0x3  }
0xaa: {  	[hbm:s9], [sflag:s14] =	dma.local @!p0 [spmem:s1], $0x1400  }
.Ltmp1:
0xab: {  	_ = 	snop;
	(pc) =	sbr.rel @p1 .LBB2_1-.Ltmp1, $4  }
0xac: {  	s1 =	simm.s32 @!p0 $0x9  }
0xad: {  	_ =	swait.ge @!p0 [sflag:s1], $0x1400  }
0xae: {  	[sflag:s1] =	ssyncset.done @!p0 $0x0  }
0xaf: {  	[sflag:s1] =	ssyncadd.s32 @!p0 $0xFFFFEC00  }
0xb0: {  	_ =	sfence.sel $0x180000  }
0xb1: {  	[bflag:$0x0] =	sbarrier.arrive $0xFFFF  }
0xb2: {  	_ =	strace $0x9000004A  }
0xb3: {  	s0 =	stileid.u32;
	[bflag:$0x2] =	sbarrier.arrive $0xFFFF  }
0xb4: {  	p0 =	sne.s32 s0, $0x0;
	s0 =	rddreg [dreg:$0x3]  }
0xb5: {  	s0 =	sadd.s32 @!p0 $0x100000, s0  }
0xb6: {  	[sflag:s0] =	ssyncadd.tile.s32 @!p0 $0x1;
	_ =	shalt  }
.Lfunc_end2:
_tile_overlayer_lowered:
.L_overlay_start_2:
0xb7: {  	(tag) =	ssettag $0x2  }
0xb8: {  	s0 =	rddreg [dreg:$0x0];
	s2 =	stileid.u32  }
0xb9: {  	s1 =	rddreg [dreg:$0x1];
	p0 =	sne.s32 s2, $0x0  }
0xba: {  	s3 =	rddreg [dreg:$0x2];
	[bflag:$0x3] =	sbarrier.arrive $0xFFFF;
	s2 =	simm.s32 @!p0 $0x1C09  }
0xbb: {  	[timem:s3], [sflag:s2] =	dma.local @!p0 [hbm:s0], s1  }
0xbc: {  	s0 =	simm.s32 @!p0 $0x9  }
0xbd: {  	_ =	swait.ge @!p0 [sflag:s0], s1  }
0xbe: {  	s1 =	ssub.s32 @!p0 $0x0, s1;
	[sflag:s0] =	ssyncset.done @!p0 $0x0  }
0xbf: {  	[sflag:s0] =	ssyncadd.s32 @!p0 s1  }
0xc0: {  	[bflag:$0x3] =	sbarrier.arrive $0xFFFF  }
0xc1: {  	_ =	shalt  }

// kernel: kernel.9.cloned.1.call-start
scs
__scs_entry_jumppad:
0x0: {  	(pc) =	sbr.rel $0x88, $3  }
0x1: {  	(tag) =	ssettag $0x0;
	lr =	simm.s32 $0x1  }
0x2: {  	[smem:$0x3F94] =	sst lr;
	_ =	strace $0xD0000000  }
0x3: {  	_ = 	snop  }
0x4: {  	_ = 	snop  }
0x5: {  	_ = 	snop  }
0x6: {  	_ = 	snop  }
0x7: {  	_ = 	snop  }
__scs_overlays_trampoline_lowered:
0x8: {  	[smem:$0x3FA3] =	sst s0  }
0x9: {  	[smem:$0x3FA4] =	sst s1  }
0xa: {  	[smem:$0x3FA5] =	sst s2  }
0xb: {  	[smem:$0x3FA6] =	sst s3  }
0xc: {  	[smem:$0x3FA7] =	sst s4  }
0xd: {  	[smem:$0x3FA8] =	sst s5  }
0xe: {  	[smem:$0x3FA9] =	sst s6  }
0xf: {  	[smem:$0x3FAA] =	sst s7  }
0x10: {  	[smem:$0x3FAB] =	sst s8  }
0x11: {  	[smem:$0x3FAC] =	sst s9;
	s0 =	simm.s32 @!p0 $0x0  }
0x12: {  	s1 =	sld [smem:$0x3F92];
	s0 =	simm.s32 @p0 $0x1  }
0x13: {  	[smem:$0x3FAD] =	sst s0;
	s0 =	simm.s32 @!p1 $0x0  }
0x14: {  	s2 =	sld [smem:$0x3F91];
	s0 =	simm.s32 @p1 $0x1  }
0x15: {  	[smem:$0x3FAE] =	sst s0;
	s0 =	simm.s32 @!p2 $0x0  }
0x16: {  	s3 =	sld [smem:$0x3FDB];
	s0 =	simm.s32 @p2 $0x1  }
0x17: {  	s4 =	simm.s32 $0x1BF5;
	[smem:$0x3FB0] =	sst s0  }
0x18: {  	s0 =	sld [smem:$0x3F93];
	_ =	swait.ge [sflag:s4], $0x0  }
0x19: {  	s7 =	sld [smem:$0x3F94]  }
0x1a: {  	s8 =	sadd.s32 $0xFFFFE003, lr  }
0x1b: {  	s9 =	sadd.s32 $0xFFFFFEF7, lr;
	s5 =	simm.s32 $0xFFFFFFFF;
	p2 =	slt.u32 s8, $0xFFFFF086  }
0x1c: {  	p1 =	slt.u32 s9, $0xF7A;
	s5 =	simm.s32 @!p2 $0x0  }
0x1d: {  	s5 =	simm.s32 @p1 $0x1;
	p0 =	seq.s32 s7, s2  }
0x1e: {  	s7 =	smul.u32 @!p0 $0xF7A, s2;
	p2 =	seq.s32 @!p0 s5, $0x0  }
0x1f: {  	s9 =	smul.u32 $0xF7A, s1;
	s8 =	simm.s32 @!p0 $0x1BF5;
	p2 =	por !p2, p0  }
0x20: {  	[sflag:s8] =	ssyncset.s32 @!p0 $0xFFFFF086;
	s6 =	sadd.s32 @!p0 s3, s7;
	s7 =	simm.s32 @!p0 $0x108  }
0x21: {  	s3 =	sadd.s32 s3, s9;
	s6 =	sadd.s32 @!p0 $0x88, s6;
	s7 =	simm.s32 @p2 $0x1082  }
0x22: {  	[simem:s7], [sflag:s8] =	dma.local @!p0 [hbm:s6], $0xF7A  }
0x23: {  	s9 =	sor.u32 $0xD0000000, s2;
	s6 =	simm.s32 $0x108;
	_ =	swait.ge @!p0 [sflag:s8], $0x0  }
0x24: {  	s3 =	sadd.s32 $0x88, s3;
	s6 =	simm.s32 @!p1 $0x1082;
	[sflag:s4] =	ssyncset.s32 $0xFFFFF086  }
0x25: {  	[simem:s6], [sflag:s4] =	dma.local [hbm:s3], $0xF7A  }
0x26: {  	[smem:$0x3F94] =	sst s1;
	(tag) =	ssettag s2;
	_ =	strace s9  }
0x27: {  	s1 =	sld [smem:$0x3FA4]  }
0x28: {  	s2 =	sld [smem:$0x3FA5]  }
0x29: {  	s4 =	sld [smem:$0x3FA7]  }
0x2a: {  	p0 =	seq.s32 s5, $0x0;
	s5 =	sld [smem:$0x3FA8]  }
0x2b: {  	s6 =	sld [smem:$0x3FA9]  }
0x2c: {  	s7 =	sld [smem:$0x3FAA]  }
0x2d: {  	s3 =	simm.s32 $0x108;
	s8 =	sld [smem:$0x3FAB]  }
0x2e: {  	s3 =	simm.s32 @!p0 $0x1082;
	s9 =	sld [smem:$0x3FAC]  }
0x2f: {  	lr =	sadd.s32 s0, s3;
	s0 =	sld [smem:$0x3FA3]  }
0x30: {  	s3 =	sld [smem:$0x3FA6]  }
0x31: {  	[smem:$0x3FAF] =	sst s10  }
0x32: {  	s10 =	sld [smem:$0x3FAD];
	_ =	sdelay $0x3  }
0x33: {  	p0 =	seq.s32 s10, $0x1;
	s10 =	sld [smem:$0x3FAF];
	_ =	sdelay $0x3  }
0x34: {  	[smem:$0x3FAF] =	sst s10  }
0x35: {  	s10 =	sld [smem:$0x3FAE];
	_ =	sdelay $0x3  }
0x36: {  	p1 =	seq.s32 s10, $0x1;
	s10 =	sld [smem:$0x3FAF];
	_ =	sdelay $0x3  }
0x37: {  	[smem:$0x3FAF] =	sst s10  }
0x38: {  	s10 =	sld [smem:$0x3FB0]  }
0x39: {  	_ = 	snop;
	(pc) =	sbr.ind lr, $3  }
0x3a: {  	_ = 	snop  }
0x3b: {  	_ = 	snop  }
0x3c: {  	p2 =	seq.s32 s10, $0x1;
	s10 =	sld [smem:$0x3FAF]  }
0x3d: {  	_ =	shalt  }
0x3e: {  	_ =	shalt  }
0x3f: {  	_ =	shalt  }
0x40: {  	_ =	shalt  }
0x41: {  	_ =	shalt  }
0x42: {  	_ =	shalt  }
0x43: {  	_ =	shalt  }
0x44: {  	_ =	shalt  }
0x45: {  	_ =	shalt  }
0x46: {  	_ =	shalt  }
0x47: {  	_ =	shalt  }
0x48: {  	_ =	shalt  }
0x49: {  	_ =	shalt  }
0x4a: {  	_ =	shalt  }
0x4b: {  	_ =	shalt  }
0x4c: {  	_ =	shalt  }
0x4d: {  	_ =	shalt  }
0x4e: {  	_ =	shalt  }
0x4f: {  	_ =	shalt  }
0x50: {  	_ =	shalt  }
0x51: {  	_ =	shalt  }
0x52: {  	_ =	shalt  }
0x53: {  	_ =	shalt  }
0x54: {  	_ =	shalt  }
0x55: {  	_ =	shalt  }
0x56: {  	_ =	shalt  }
0x57: {  	_ =	shalt  }
0x58: {  	_ =	shalt  }
0x59: {  	_ =	shalt  }
0x5a: {  	_ =	shalt  }
0x5b: {  	_ =	shalt  }
0x5c: {  	_ =	shalt  }
0x5d: {  	_ =	shalt  }
0x5e: {  	_ =	shalt  }
0x5f: {  	_ =	shalt  }
0x60: {  	_ =	shalt  }
0x61: {  	_ =	shalt  }
0x62: {  	_ =	shalt  }
0x63: {  	_ =	shalt  }
0x64: {  	_ =	shalt  }
0x65: {  	_ =	shalt  }
0x66: {  	_ =	shalt  }
0x67: {  	_ =	shalt  }
0x68: {  	_ =	shalt  }
0x69: {  	_ =	shalt  }
0x6a: {  	_ =	shalt  }
0x6b: {  	_ =	shalt  }
0x6c: {  	_ =	shalt  }
0x6d: {  	_ =	shalt  }
0x6e: {  	_ =	shalt  }
0x6f: {  	_ =	shalt  }
0x70: {  	_ =	shalt  }
0x71: {  	_ =	shalt  }
0x72: {  	_ =	shalt  }
0x73: {  	_ =	shalt  }
0x74: {  	_ =	shalt  }
0x75: {  	_ =	shalt  }
0x76: {  	_ =	shalt  }
0x77: {  	_ =	shalt  }
0x78: {  	_ =	shalt  }
0x79: {  	_ =	shalt  }
0x7a: {  	_ =	shalt  }
0x7b: {  	_ =	shalt  }
0x7c: {  	_ =	shalt  }
0x7d: {  	_ =	shalt  }
0x7e: {  	_ =	shalt  }
0x7f: {  	_ =	shalt  }
0x80: {  	_ =	shalt  }
0x81: {  	_ =	shalt  }
0x82: {  	_ =	shalt  }
0x83: {  	_ =	shalt  }
0x84: {  	_ =	shalt  }
0x85: {  	_ =	shalt  }
0x86: {  	_ =	shalt  }
0x87: {  	_ =	shalt  }
.Lfunc_end0:
.L_simem_size_0:
called_computation_lowered:
.L_overlay_start_0:
0x88: {  	s2 =	sld [smem:$0x3FD9]  }
0x89: {  	s3 =	sld [smem:$0x3FFE];
	_ =	sdelay $0x1  }
0x8a: {  	s1 =	srdreg.scid  }
0x8b: {  	s0 =	sand.u32 $0x1, s1  }
0x8c: {  	s17 =	sshll.u32 s0, $0xA;
	s2 =	sadd.s32 s3, s2  }
0x8d: {  	s2 =	sadd.s32 s2, s17  }
0x8e: {  	[smem:$0x3FBB] =	sst s2  }
0x8f: {  	_ = 	snop  }
0x90: {  	s2 =	sld [smem:$0x3FD0];
	(tm) =	ssettm $0x1  }
0x91: {  	s18 =	sld [smem:$0x3FFB];
	_ =	sdelay $0x3  }
0x92: {  	_ =	strace s18  }
0x93: {  	s3 =	sld [smem:$0x3FFC];
	_ =	sdelay $0x3  }
0x94: {  	_ =	strace s3  }
0x95: {  	s3 =	sld [smem:$0x3FFD];
	_ =	sdelay $0x3  }
0x96: {  	_ =	strace s3  }
0x97: {  	_ =	strace $0x8FFFFFFF  }
0x98: {  	s19 =	sld [smem:$0x3FDB];
	_ =	sdelay $0x1  }
0x99: {  	s4 =	simm.s32 $_scs_section_size  }
0x9a: {  	s5 =	simm.s32 $_size__tile_overlayer_lowered;
	s6 =	simm.s32 $_tile_overlayer_lowered  }
0x9b: {  	s22 =	simm.s32 $0x1BFF;
	s21 =	sshll.u32 s6, $0x1;
	s3 =	sadd.s32 s4, s19  }
0x9c: {  	s7 =	simm.s32 $0x0;
	s20 =	sshll.u32 s5, $0x1;
	s5 =	sadd.s32 s21, s3  }
0x9d: {  	[timem:s7], [sflag:s22] =	dma.local [hbm:s5], s20  }
0x9e: {  	_ =	swait.ge [sflag:s22], s20  }
0x9f: {  	s4 =	ssub.s32 $0x0, s20;
	[sflag:s22] =	ssyncset.done $0x0  }
0xa0: {  	[sflag:s22] =	ssyncadd.s32 s4;
	_ =	sdelay $0x1  }
0xa1: {  	s23 =	simm.s32 $0x1B8B  }
0xa2: {  	_ =	swait.ge [sflag:s23], $0x1  }
0xa3: {  	[sflag:s23] =	ssyncset.done $0x0  }
0xa4: {  	s25 =	simm.s32 $0x1B8E;
	s24 =	sld [smem:$0x3FFE];
	[sflag:s23] =	ssyncadd.s32 $0xFFFFFFFF  }
0xa5: {  	s26 =	simm.s32 $execute0_lowered;
	[smem:$0x3FD2] =	sst s25  }
0xa6: {  	s5 =	sshll.u32 s26, $0x1;
	_ =	strace $0x80000046;
	[dreg:$0x1] =	wrdreg $0xFFFFFFFF  }
0xa7: {  	s28 =	simm.s32 $_size_execute0_lowered;
	s3 =	sadd.s32 s3, s5;
	[dreg:$0x0] =	wrdreg $0x0  }
0xa8: {  	s5 =	sshll.u32 s28, $0x1;
	[dreg:$0x2] =	wrdreg s3  }
0xa9: {  	[dreg:$0x3] =	wrdreg s5  }
0xaa: {  	[dreg:$0x4] =	wrdreg $0xC0  }
0xab: {  	_ =	task [dreg:s7], $0x5FFFF  }
0xac: {  	[dreg:$0x1] =	wrdreg $0xFFFFFFFF  }
0xad: {  	[dreg:$0x0] =	wrdreg $0x60  }
0xae: {  	[dreg:$0x2] =	wrdreg s24  }
0xaf: {  	[dreg:$0x3] =	wrdreg s2  }
0xb0: {  	[dreg:$0x4] =	wrdreg $0x150000  }
0xb1: {  	[dreg:$0x5] =	wrdreg $0x1F0000  }
0xb2: {  	[dreg:$0x6] =	wrdreg $0x9  }
0xb3: {  	_ =	task.clear_ibuf [dreg:s7], $0x7FFFF;
	_ =	strace $0x90000046  }
0xb4: {  	s29 =	simm.s32 $0x9;
	_ =	strace $0x80000048  }
0xb5: {  	_ =	swait.ge [sflag:s29], $0x1  }
0xb6: {  	[sflag:s29] =	ssyncadd.s32 $0xFFFFFFFF  }
0xb7: {  	_ =	strace $0x90000048  }
0xb8: {  	_ =	sfence  }
0xb9: {  	s30 =	sld [smem:$0x0];
	_ =	sdelay $0x2  }
0xba: {  	s31 =	sshll.u32 s1, $0xD;
	s1 =	sshrl.u32 s1, $0x2  }
0xbb: {  	s3 =	sand.u32 $0x4000, s31;
	s1 =	sadd.s32 s1, s30  }
0xbc: {  	s0 =	sor.u32 s3, s0;
	s1 =	sshll.u32 s1, $0x11  }
0xbd: {  	s0 =	sor.u32 s1, s0  }
0xbe: {  	s0 =	sadd.s32 $0x8F2B, s0  }
0xbf: {  	[sflag:s0] =	ssyncadd.remote.s32 $0x1  }
0xc0: {  	_ =	sfence.sel $0xFFFF  }
0xc1: {  	[dreg:$0x0] =	wrdreg $0xFFFFFFFF;
	(pc) =	sbr.abs _section_cstart, $3  }
0xc2: {  	[dreg:$0x1] =	wrdreg $0xFFFFFFFF  }
0xc3: {  	_ =	task.clear_ibuf [dreg:s7], $0x2FFFF;
	_ =	strace $0x9FFFFFFF  }
0xc4: {  	(tm) =	ssettm $0x7FFFFFFF  }
0xc5: {  	_ =	shalt  }
tec
execute0_lowered:
.L_overlay_start_1:
0x0: {  	(tag) =	ssettag $0x1  }
0x1: {  	s0 =	rddreg [dreg:$0x0]  }
0x2: {  	s1 =	rddreg [dreg:$0x1]  }
0x3: {  	s2 =	srdreg.scid;
	s3 =	rddreg [dreg:$0x2]  }
0x4: {  	s14 =	stileid.u32;
	s4 =	rddreg [dreg:$0x3]  }
0x5: {  	s28 =	simm.s32 $0xD000;
	s29 =	simm.s32 $0x1;
	s31 =	simm.s32 $0x11000  }
0x6: {  	s30 =	simm.s32 $0x3;
	s15 =	simm.s32 $0x4D00;
	s16 =	simm.s32 $0x4E00  }
0x7: {  	s17 =	simm.s32 $0x4F00;
	s2 =	sand.u32 $0x1, s2;
	s7 =	sadd.s32 $0x16C00, s0  }
0x8: {  	s18 =	sadd.s32 $0x18000, s0;
	s19 =	sadd.s32 $0x18200, s0;
	s20 =	smul.u32 $0x280, s14  }
0x9: {  	s8 =	sadd.s32 $0x18E00, s0;
	s10 =	smul.u32 $0xA000, s14;
	p0 =	seq.s32 s14, $0xF  }
0xa: {  	s5 =	sshll.u32 s2, $0x4;
	s9 =	ssub.s32 $0x2, s2;
	s13 =	smul.u32 $0x9C400, s2  }
0xb: {  	s2 =	smul.u32 $0x2710, s2;
	s6 =	sor.u32 s14, s5;
	s5 =	simm.s32 $0x0  }
0xc: {  	s11 =	sshrl.u32 s9, $0x1;
	s12 =	sadd.s32 s20, s4;
	s14 =	simm.s32 $0x4C00  }
0xd: {  	s6 =	smul.u32 $0x500, s6;
	[smem:$0x7FF] =	sst s5;
	s9 =	ssub.s32 s9, s11  }
0xe: {  	s11 =	sadd.s32 s10, s3;
	_ =	strace $0x80000047;
	[dreg:$0x5] =	wrdreg s7  }
0xf: {  	s22 =	sadd.s32 s10, s13;
	s24 =	sshrl.u32 s13, $0x3;
	[dreg:$0x6] =	wrdreg s18  }
0x10: {  	s10 =	simm.s32 $0x7;
	s13 =	simm.s32 $0x8;
	[dreg:$0x7] =	wrdreg s19  }
0x11: {  	s7 =	sadd.s32 s20, s2;
	s25 =	sadd.s32 s8, s24;
	s2 =	sshrl.u32 s2, $0x3  }
0x12: {  	s26 =	smax.u32 s9, $0x1;
	s18 =	simm.s32 $0x9;
	s19 =	simm.s32 $0x2800  }
0x13: {  	s20 =	simm.s32 $0x1F280;
	s24 =	simm.s32 $0x0;
	s6 =	sadd.s32 s6, s0  }
0x14: {  	s0 =	sadd.s32 $0x18400, s0;
	[dreg:$0xe] =	wrdreg s26;
	s21 =	sadd.s32 $0x2C00, s6  }
0x15: {  	s23 =	sshrl.u32 s7, $0x3;
	s6 =	sadd.s32 $0xCC00, s6;
	[dreg:$0x8] =	wrdreg s21  }
0x16: {  	s7 =	simm.s32 $0x6;
	[dreg:$0x9] =	wrdreg s6;
	s6 =	sshrl.u32 s22, $0x3  }
0x17: {  	s21 =	simm.s32 $0x100;
	s22 =	simm.s32 $0x5000;
	s6 =	sadd.s32 s8, s6  }
0x18: {  	s8 =	simm.s32 $0x4;
	[dreg:$0xa] =	wrdreg s6;
	s6 =	sadd.s32 s0, s23  }
0x19: {  	s0 =	sadd.s32 s0, s2;
	[dreg:$0xb] =	wrdreg s6;
	s6 =	sadd.s32 $0x12C00, s25  }
0x1a: {  	s0 =	sadd.s32 $0x4B0, s0;
	[dreg:$0xc] =	wrdreg s6;
	s6 =	sadd.s32 $0x96000, s3  }
0x1b: {  	[dreg:$0xd] =	wrdreg s0;
	s0 =	sadd.s32 $0x2580, s4;
	s2 =	sshrl.u32 @p0 s6, $0x3  }
0x1c: {  	s23 =	simm.s32 $0x9000;
	s0 =	sshrl.u32 @p0 s0, $0x3;
	[dreg:$0xf] =	wrdreg s2  }
0x1d: {  	[dreg:$0x10] =	wrdreg s0;
	s2 =	simm.s32 $0x2;
	s0 =	simm.s32 $0x5  }
.LBB2_1:
0x1e: {  	s6 =	rddreg [dreg:$0x8]  }
0x1f: {  	[tilespmem:s5], [sflag:$0x9] =	stream.linear.gather [hbm4b:s6+s5], $0x2800, $0x38;
	[tilespmem:$0x1F380] =	vst v63  }
0x20: {  	_ =	swait.ge [sflag:s18], $0x2800  }
0x21: {  	[sflag:s18] =	ssyncset.done $0x0  }
0x22: {  	s26 =	rddreg [dreg:$0x9];
	[sflag:s18] =	ssyncadd.s32 $0xFFFFD800  }
0x23: {  	[tilespmem:s19], [sflag:$0x9] =	stream.linear.gather [hbm4b:s26+s5], $0x2800, $0x38;
	[tilespmem:$0x1F380] =	vst v63  }
0x24: {  	_ =	swait.ge [sflag:s18], $0x2800  }
0x25: {  	[sflag:s18] =	ssyncset.done $0x0  }
0x26: {  	s25 =	stileid.u32;
	s9 =	rddreg [dreg:$0x7];
	[sflag:s18] =	ssyncadd.s32 $0xFFFFD800  }
0x27: {  	[tilespmem:s20], [sflag:$0x9] =	stream.linear.gather [hbm4b:s9+s5], $0x100, $0x38;
	[tilespmem:$0x1F380] =	vst v63  }
0x28: {  	s6 =	sshll.u32 s25, $0x6;
	_ =	swait.ge [sflag:s18], $0x100  }
0x29: {  	s25 =	sor.u32 $0x1C09, s6;
	[sflag:s18] =	ssyncset.done $0x0  }
0x2a: {  	s26 =	sshrl.u32 s11, $0x3;
	s9 =	rddreg [dreg:$0x5];
	[sflag:s18] =	ssyncadd.s32 $0xFFFFFF00  }
0x2b: {  	[spmem:s26], [sflag:s25] =	dma.local [hbm:s9], $0x1400  }
0x2c: {  	_ =	swait.ge [sflag:s18], $0x1400  }
0x2d: {  	[sflag:s18] =	ssyncset.done $0x0  }
0x2e: {  	s9 =	sshrl.u32 s12, $0x3;
	s26 =	rddreg [dreg:$0x6];
	[sflag:s18] =	ssyncadd.s32 $0xFFFFEC00  }
0x2f: {  	[spmem:s9], [sflag:s25] =	dma.local [hbm:s26], $0x50  }
0x30: {  	_ =	swait.ge [sflag:s18], $0x50  }
0x31: {  	[sflag:s18] =	ssyncset.done $0x0  }
0x32: {  	[sflag:s18] =	ssyncadd.s32 $0xFFFFFFB0  }
0x33: {  	[bflag:$0x0] =	sbarrier.arrive $0xFFFF  }
0x34: {  	[tilespmem:s22], [sflag:$0x1] =	stream.indirect.gather [hbm4b:s1+s21], $0x40, s5, s21, $0xb8;
	[tilespmem:$0x1F380] =	vst v63  }
0x35: {  	_ = 	snop  }
0x36: {  	[tilespmem:s23], [sflag:$0x2] =	stream.indirect.gather [hbm4b:s1+s21], $0x40, s21, s21, $0xb8;
	[tilespmem:$0x1F380] =	vst v63  }
0x37: {  	s26 =	simm.s32 $0x200  }
0x38: {  	[tilespmem:s28], [sflag:$0x3] =	stream.indirect.gather [hbm4b:s1+s21], $0x40, s26, s21, $0xb8;
	[tilespmem:$0x1F380] =	vst v63  }
0x39: {  	_ =	swait.ge [sflag:s29], $0x4000  }
0x3a: {  	[sflag:s29] =	ssyncset.done $0x0  }
0x3b: {  	[sflag:s29] =	ssyncadd.s32 $0xFFFFC000  }
0x3c: {  	[spmem:s3] =	stream.indirect.scatter.add.f32 [tilespmem:s22], [sflag:$0x5], $0x40, s19, s21, $0xb8;
	[tilespmem:$0x1F380] =	vst v63  }
0x3d: {  	_ = 	snop  }
0x3e: {  	[spmem:s4] =	stream.indirect.scatter.add.f32 [tilespmem:s20], [sflag:$0x9], $0x1, s19, s21, $0xb8;
	[tilespmem:$0x1F380] =	vst v63  }
0x3f: {  	_ =	swait.ge [sflag:s18], $0x100  }
0x40: {  	[sflag:s18] =	ssyncset.done $0x0  }
0x41: {  	s9 =	simm.s32 $0x300;
	[sflag:s18] =	ssyncadd.s32 $0xFFFFFF00  }
0x42: {  	[tilespmem:s31], [sflag:$0x4] =	stream.indirect.gather [hbm4b:s1+s21], $0x40, s9, s21, $0xb8;
	[tilespmem:$0x1F380] =	vst v63  }
0x43: {  	_ =	swait.ge [sflag:s2], $0x4000  }
0x44: {  	[sflag:s2] =	ssyncset.done $0x0  }
0x45: {  	s26 =	simm.s32 $0x2900;
	[sflag:s2] =	ssyncadd.s32 $0xFFFFC000  }
0x46: {  	[spmem:s3] =	stream.indirect.scatter.add.f32 [tilespmem:s23], [sflag:$0x6], $0x40, s26, s21, $0xb8;
	[tilespmem:$0x1F380] =	vst v63  }
0x47: {  	_ = 	snop  }
0x48: {  	[spmem:s4] =	stream.indirect.scatter.add.f32 [tilespmem:s20], [sflag:$0x9], $0x1, s26, s21, $0xb8;
	[tilespmem:$0x1F380] =	vst v63  }
0x49: {  	_ =	swait.ge [sflag:s18], $0x100  }
0x4a: {  	[sflag:s18] =	ssyncset.done $0x0  }
0x4b: {  	[sflag:s18] =	ssyncadd.s32 $0xFFFFFF00  }
0x4c: {  	_ =	swait.ge [sflag:s0], $0x4000  }
0x4d: {  	[sflag:s0] =	ssyncset.done $0x0  }
0x4e: {  	s9 =	simm.s32 $0x400;
	[sflag:s0] =	ssyncadd.s32 $0xFFFFC000  }
0x4f: {  	[tilespmem:s22], [sflag:$0x1] =	stream.indirect.gather [hbm4b:s1+s21], $0x40, s9, s21, $0xb8;
	[tilespmem:$0x1F380] =	vst v63  }
0x50: {  	_ =	swait.ge [sflag:s30], $0x4000  }
0x51: {  	[sflag:s30] =	ssyncset.done $0x0  }
0x52: {  	s26 =	simm.s32 $0x2A00;
	[sflag:s30] =	ssyncadd.s32 $0xFFFFC000  }
0x53: {  	[spmem:s3] =	stream.indirect.scatter.add.f32 [tilespmem:s28], [sflag:$0x7], $0x40, s26, s21, $0xb8;
	[tilespmem:$0x1F380] =	vst v63  }
0x54: {  	_ = 	snop  }
0x55: {  	[spmem:s4] =	stream.indirect.scatter.add.f32 [tilespmem:s20], [sflag:$0x9], $0x1, s26, s21, $0xb8;
	[tilespmem:$0x1F380] =	vst v63  }
0x56: {  	_ =	swait.ge [sflag:s18], $0x100  }
0x57: {  	[sflag:s18] =	ssyncset.done $0x0  }
0x58: {  	[sflag:s18] =	ssyncadd.s32 $0xFFFFFF00  }
0x59: {  	_ =	swait.ge [sflag:s7], $0x4000  }
0x5a: {  	[sflag:s7] =	ssyncset.done $0x0  }
0x5b: {  	s9 =	simm.s32 $0x500;
	[sflag:s7] =	ssyncadd.s32 $0xFFFFC000  }
0x5c: {  	[tilespmem:s23], [sflag:$0x2] =	stream.indirect.gather [hbm4b:s1+s21], $0x40, s9, s21, $0xb8;
	[tilespmem:$0x1F380] =	vst v63  }
0x5d: {  	_ =	swait.ge [sflag:s8], $0x4000  }
0x5e: {  	[sflag:s8] =	ssyncset.done $0x0  }
0x5f: {  	s26 =	simm.s32 $0x2B00;
	[sflag:s8] =	ssyncadd.s32 $0xFFFFC000  }
0x60: {  	[spmem:s3] =	stream.indirect.scatter.add.f32 [tilespmem:s31], [sflag:$0x8], $0x40, s26, s21, $0xb8;
	[tilespmem:$0x1F380] =	vst v63  }
0x61: {  	_ = 	snop  }
0x62: {  	[spmem:s4] =	stream.indirect.scatter.add.f32 [tilespmem:s20], [sflag:$0x9], $0x1, s26, s21, $0xb8;
	[tilespmem:$0x1F380] =	vst v63  }
0x63: {  	_ =	swait.ge [sflag:s18], $0x100  }
0x64: {  	[sflag:s18] =	ssyncset.done $0x0  }
0x65: {  	[sflag:s18] =	ssyncadd.s32 $0xFFFFFF00  }
0x66: {  	_ =	swait.ge [sflag:s10], $0x4000  }
0x67: {  	[sflag:s10] =	ssyncset.done $0x0  }
0x68: {  	s9 =	simm.s32 $0x600;
	[sflag:s10] =	ssyncadd.s32 $0xFFFFC000  }
0x69: {  	[tilespmem:s28], [sflag:$0x3] =	stream.indirect.gather [hbm4b:s1+s21], $0x40, s9, s21, $0xb8;
	[tilespmem:$0x1F380] =	vst v63  }
0x6a: {  	_ =	swait.ge [sflag:s29], $0x4000  }
0x6b: {  	[sflag:s29] =	ssyncset.done $0x0  }
0x6c: {  	s26 =	simm.s32 $0x2C00;
	[sflag:s29] =	ssyncadd.s32 $0xFFFFC000  }
0x6d: {  	[spmem:s3] =	stream.indirect.scatter.add.f32 [tilespmem:s22], [sflag:$0x5], $0x40, s26, s21, $0xb8;
	[tilespmem:$0x1F380] =	vst v63  }
0x6e: {  	_ = 	snop  }
0x6f: {  	[spmem:s4] =	stream.indirect.scatter.add.f32 [tilespmem:s20], [sflag:$0x9], $0x1, s26, s21, $0xb8;
	[tilespmem:$0x1F380] =	vst v63  }
0x70: {  	_ =	swait.ge [sflag:s18], $0x100  }
0x71: {  	[sflag:s18] =	ssyncset.done $0x0  }
0x72: {  	[sflag:s18] =	ssyncadd.s32 $0xFFFFFF00  }
0x73: {  	_ =	swait.ge [sflag:s13], $0x4000  }
0x74: {  	[sflag:s13] =	ssyncset.done $0x0  }
0x75: {  	s9 =	simm.s32 $0x700;
	[sflag:s13] =	ssyncadd.s32 $0xFFFFC000  }
0x76: {  	[tilespmem:s31], [sflag:$0x4] =	stream.indirect.gather [hbm4b:s1+s21], $0x40, s9, s21, $0xb8;
	[tilespmem:$0x1F380] =	vst v63  }
0x77: {  	_ =	swait.ge [sflag:s2], $0x4000  }
0x78: {  	[sflag:s2] =	ssyncset.done $0x0  }
0x79: {  	s26 =	simm.s32 $0x2D00;
	[sflag:s2] =	ssyncadd.s32 $0xFFFFC000  }
0x7a: {  	[spmem:s3] =	stream.indirect.scatter.add.f32 [tilespmem:s23], [sflag:$0x6], $0x40, s26, s21, $0xb8;
	[tilespmem:$0x1F380] =	vst v63  }
0x7b: {  	_ = 	snop  }
0x7c: {  	[spmem:s4] =	stream.indirect.scatter.add.f32 [tilespmem:s20], [sflag:$0x9], $0x1, s26, s21, $0xb8;
	[tilespmem:$0x1F380] =	vst v63  }
0x7d: {  	_ =	swait.ge [sflag:s18], $0x100  }
0x7e: {  	[sflag:s18] =	ssyncset.done $0x0  }
0x7f: {  	[sflag:s18] =	ssyncadd.s32 $0xFFFFFF00  }
0x80: {  	_ =	swait.ge [sflag:s0], $0x4000  }
0x81: {  	[sflag:s0] =	ssyncset.done $0x0  }
0x82: {  	s9 =	simm.s32 $0x800;
	[sflag:s0] =	ssyncadd.s32 $0xFFFFC000  }
0x83: {  	[tilespmem:s22], [sflag:$0x1] =	stream.indirect.gather [hbm4b:s1+s21], $0x40, s9, s21, $0xb8;
	[tilespmem:$0x1F380] =	vst v63  }
0x84: {  	_ =	swait.ge [sflag:s30], $0x4000  }
0x85: {  	[sflag:s30] =	ssyncset.done $0x0  }
0x86: {  	s26 =	simm.s32 $0x2E00;
	[sflag:s30] =	ssyncadd.s32 $0xFFFFC000  }
0x87: {  	[spmem:s3] =	stream.indirect.scatter.add.f32 [tilespmem:s28], [sflag:$0x7], $0x40, s26, s21, $0xb8;
	[tilespmem:$0x1F380] =	vst v63  }
0x88: {  	_ = 	snop  }
0x89: {  	[spmem:s4] =	stream.indirect.scatter.add.f32 [tilespmem:s20], [sflag:$0x9], $0x1, s26, s21, $0xb8;
	[tilespmem:$0x1F380] =	vst v63  }
0x8a: {  	_ =	swait.ge [sflag:s18], $0x100  }
0x8b: {  	[sflag:s18] =	ssyncset.done $0x0  }
0x8c: {  	[sflag:s18] =	ssyncadd.s32 $0xFFFFFF00  }
0x8d: {  	_ =	swait.ge [sflag:s7], $0x4000  }
0x8e: {  	[sflag:s7] =	ssyncset.done $0x0  }
0x8f: {  	s9 =	simm.s32 $0x900;
	[sflag:s7] =	ssyncadd.s32 $0xFFFFC000  }
0x90: {  	[tilespmem:s23], [sflag:$0x2] =	stream.indirect.gather [hbm4b:s1+s21], $0x40, s9, s21, $0xb8;
	[tilespmem:$0x1F380] =	vst v63  }
0x91: {  	_ =	swait.ge [sflag:s8], $0x4000  }
0x92: {  	[sflag:s8] =	ssyncset.done $0x0  }
0x93: {  	s26 =	simm.s32 $0x2F00;
	[sflag:s8] =	ssyncadd.s32 $0xFFFFC000  }
0x94: {  	[spmem:s3] =	stream.indirect.scatter.add.f32 [tilespmem:s31], [sflag:$0x8], $0x40, s26, s21, $0xb8;
	[tilespmem:$0x1F380] =	vst v63  }
0x95: {  	_ = 	snop  }
0x96: {  	[spmem:s4] =	stream.indirect.scatter.add.f32 [tilespmem:s20], [sflag:$0x9], $0x1, s26, s21, $0xb8;
	[tilespmem:$0x1F380] =	vst v63  }
0x97: {  	_ =	swait.ge [sflag:s18], $0x100  }
0x98: {  	s26 =	simm.s32 $0x1000;
	[sflag:s18] =	ssyncset.done $0x0  }
.LBB2_2:
0x99: {  	p1 =	sne.s32 s26, $0x7000  }
0x9a: {  	[sflag:s18] =	ssyncadd.s32 $0xFFFFFF00;
	s6 =	smov.u32 s26;
	s26 =	sadd.s32 $0x1000, s26  }
0x9b: {  	_ = 	snop  }
0x9c: {  	_ =	swait.ge [sflag:s10], $0x4000  }
0x9d: {  	s6 =	sshra.s32 s6, $0x2;
	[sflag:s10] =	ssyncset.done $0x0  }
0x9e: {  	s9 =	sadd.s32 $0x600, s6;
	[sflag:s10] =	ssyncadd.s32 $0xFFFFC000  }
0x9f: {  	[tilespmem:s28], [sflag:$0x3] =	stream.indirect.gather [hbm4b:s1+s21], $0x40, s9, s21, $0xb8;
	[tilespmem:$0x1F380] =	vst v63  }
0xa0: {  	_ =	swait.ge [sflag:s29], $0x4000  }
0xa1: {  	[sflag:s29] =	ssyncset.done $0x0  }
0xa2: {  	s9 =	sadd.s32 $0x2C00, s6;
	[sflag:s29] =	ssyncadd.s32 $0xFFFFC000  }
0xa3: {  	[spmem:s3] =	stream.indirect.scatter.add.f32 [tilespmem:s22], [sflag:$0x5], $0x40, s9, s21, $0xb8;
	[tilespmem:$0x1F380] =	vst v63  }
0xa4: {  	_ = 	snop  }
0xa5: {  	[spmem:s4] =	stream.indirect.scatter.add.f32 [tilespmem:s20], [sflag:$0x9], $0x1, s9, s21, $0xb8;
	[tilespmem:$0x1F380] =	vst v63  }
0xa6: {  	_ =	swait.ge [sflag:s18], $0x100  }
0xa7: {  	[sflag:s18] =	ssyncset.done $0x0  }
0xa8: {  	[sflag:s18] =	ssyncadd.s32 $0xFFFFFF00  }
0xa9: {  	_ =	swait.ge [sflag:s13], $0x4000  }
0xaa: {  	[sflag:s13] =	ssyncset.done $0x0  }
0xab: {  	s9 =	sadd.s32 $0x700, s6;
	[sflag:s13] =	ssyncadd.s32 $0xFFFFC000  }
0xac: {  	[tilespmem:s31], [sflag:$0x4] =	stream.indirect.gather [hbm4b:s1+s21], $0x40, s9, s21, $0xb8;
	[tilespmem:$0x1F380] =	vst v63  }
0xad: {  	_ =	swait.ge [sflag:s2], $0x4000  }
0xae: {  	[sflag:s2] =	ssyncset.done $0x0  }
0xaf: {  	s9 =	sadd.s32 $0x2D00, s6;
	[sflag:s2] =	ssyncadd.s32 $0xFFFFC000  }
0xb0: {  	[spmem:s3] =	stream.indirect.scatter.add.f32 [tilespmem:s23], [sflag:$0x6], $0x40, s9, s21, $0xb8;
	[tilespmem:$0x1F380] =	vst v63  }
0xb1: {  	_ = 	snop  }
0xb2: {  	[spmem:s4] =	stream.indirect.scatter.add.f32 [tilespmem:s20], [sflag:$0x9], $0x1, s9, s21, $0xb8;
	[tilespmem:$0x1F380] =	vst v63  }
0xb3: {  	_ =	swait.ge [sflag:s18], $0x100  }
0xb4: {  	[sflag:s18] =	ssyncset.done $0x0  }
0xb5: {  	[sflag:s18] =	ssyncadd.s32 $0xFFFFFF00  }
0xb6: {  	_ =	swait.ge [sflag:s0], $0x4000  }
0xb7: {  	[sflag:s0] =	ssyncset.done $0x0  }
0xb8: {  	s9 =	sadd.s32 $0x800, s6;
	[sflag:s0] =	ssyncadd.s32 $0xFFFFC000  }
0xb9: {  	[tilespmem:s22], [sflag:$0x1] =	stream.indirect.gather [hbm4b:s1+s21], $0x40, s9, s21, $0xb8;
	[tilespmem:$0x1F380] =	vst v63  }
0xba: {  	_ =	swait.ge [sflag:s30], $0x4000  }
0xbb: {  	[sflag:s30] =	ssyncset.done $0x0  }
0xbc: {  	s9 =	sadd.s32 $0x2E00, s6;
	[sflag:s30] =	ssyncadd.s32 $0xFFFFC000  }
0xbd: {  	[spmem:s3] =	stream.indirect.scatter.add.f32 [tilespmem:s28], [sflag:$0x7], $0x40, s9, s21, $0xb8;
	[tilespmem:$0x1F380] =	vst v63  }
0xbe: {  	_ = 	snop  }
0xbf: {  	[spmem:s4] =	stream.indirect.scatter.add.f32 [tilespmem:s20], [sflag:$0x9], $0x1, s9, s21, $0xb8;
	[tilespmem:$0x1F380] =	vst v63  }
0xc0: {  	_ =	swait.ge [sflag:s18], $0x100  }
0xc1: {  	[sflag:s18] =	ssyncset.done $0x0  }
0xc2: {  	[sflag:s18] =	ssyncadd.s32 $0xFFFFFF00  }
0xc3: {  	_ =	swait.ge [sflag:s7], $0x4000  }
0xc4: {  	[sflag:s7] =	ssyncset.done $0x0  }
0xc5: {  	s9 =	sadd.s32 $0x900, s6;
	[sflag:s7] =	ssyncadd.s32 $0xFFFFC000  }
0xc6: {  	[tilespmem:s23], [sflag:$0x2] =	stream.indirect.gather [hbm4b:s1+s21], $0x40, s9, s21, $0xb8;
	[tilespmem:$0x1F380] =	vst v63  }
0xc7: {  	_ =	swait.ge [sflag:s8], $0x4000  }
0xc8: {  	[sflag:s8] =	ssyncset.done $0x0  }
0xc9: {  	s6 =	sadd.s32 $0x2F00, s6;
	[sflag:s8] =	ssyncadd.s32 $0xFFFFC000  }
0xca: {  	[spmem:s3] =	stream.indirect.scatter.add.f32 [tilespmem:s31], [sflag:$0x8], $0x40, s6, s21, $0xb8;
	[tilespmem:$0x1F380] =	vst v63  }
.Ltmp0:
0xcb: {  	_ = 	snop;
	(pc) =	sbr.rel @p1 .LBB2_2-.Ltmp0, $4  }
0xcc: {  	_ = 	snop  }
0xcd: {  	[spmem:s4] =	stream.indirect.scatter.add.f32 [tilespmem:s20], [sflag:$0x9], $0x1, s6, s21, $0xb8;
	[tilespmem:$0x1F380] =	vst v63  }
0xce: {  	_ =	swait.ge [sflag:s18], $0x100  }
0xcf: {  	[sflag:s18] =	ssyncset.done $0x0  }
0xd0: {  	[sflag:s18] =	ssyncadd.s32 $0xFFFFFF00  }
0xd1: {  	_ =	swait.ge [sflag:s10], $0x4000  }
0xd2: {  	[sflag:s10] =	ssyncset.done $0x0  }
0xd3: {  	s6 =	simm.s32 $0x2600;
	[sflag:s10] =	ssyncadd.s32 $0xFFFFC000  }
0xd4: {  	[tilespmem:s28], [sflag:$0x3] =	stream.indirect.gather [hbm4b:s1+s21], $0x40, s6, s21, $0xb8;
	[tilespmem:$0x1F380] =	vst v63  }
0xd5: {  	_ =	swait.ge [sflag:s29], $0x4000  }
0xd6: {  	[sflag:s29] =	ssyncset.done $0x0  }
0xd7: {  	[sflag:s29] =	ssyncadd.s32 $0xFFFFC000  }
0xd8: {  	[spmem:s3] =	stream.indirect.scatter.add.f32 [tilespmem:s22], [sflag:$0x5], $0x40, s14, s21, $0xb8;
	[tilespmem:$0x1F380] =	vst v63  }
0xd9: {  	_ = 	snop  }
0xda: {  	[spmem:s4] =	stream.indirect.scatter.add.f32 [tilespmem:s20], [sflag:$0x9], $0x1, s14, s21, $0xb8;
	[tilespmem:$0x1F380] =	vst v63  }
0xdb: {  	_ =	swait.ge [sflag:s18], $0x100  }
0xdc: {  	[sflag:s18] =	ssyncset.done $0x0  }
0xdd: {  	[sflag:s18] =	ssyncadd.s32 $0xFFFFFF00  }
0xde: {  	_ =	swait.ge [sflag:s13], $0x4000  }
0xdf: {  	[sflag:s13] =	ssyncset.done $0x0  }
0xe0: {  	s9 =	simm.s32 $0x2700;
	[sflag:s13] =	ssyncadd.s32 $0xFFFFC000  }
0xe1: {  	[tilespmem:s31], [sflag:$0x4] =	stream.indirect.gather [hbm4b:s1+s21], $0x40, s9, s21, $0xb8;
	[tilespmem:$0x1F380] =	vst v63  }
0xe2: {  	_ =	swait.ge [sflag:s2], $0x4000  }
0xe3: {  	[sflag:s2] =	ssyncset.done $0x0  }
0xe4: {  	[sflag:s2] =	ssyncadd.s32 $0xFFFFC000  }
0xe5: {  	[spmem:s3] =	stream.indirect.scatter.add.f32 [tilespmem:s23], [sflag:$0x6], $0x40, s15, s21, $0xb8;
	[tilespmem:$0x1F380] =	vst v63  }
0xe6: {  	_ = 	snop  }
0xe7: {  	[spmem:s4] =	stream.indirect.scatter.add.f32 [tilespmem:s20], [sflag:$0x9], $0x1, s15, s21, $0xb8;
	[tilespmem:$0x1F380] =	vst v63  }
0xe8: {  	_ =	swait.ge [sflag:s18], $0x100  }
0xe9: {  	[sflag:s18] =	ssyncset.done $0x0  }
0xea: {  	[sflag:s18] =	ssyncadd.s32 $0xFFFFFF00  }
0xeb: {  	_ =	swait.ge [sflag:s0], $0x4000  }
0xec: {  	[sflag:s0] =	ssyncset.done $0x0  }
0xed: {  	[sflag:s0] =	ssyncadd.s32 $0xFFFFC000  }
0xee: {  	_ =	swait.ge [sflag:s30], $0x4000  }
0xef: {  	[sflag:s30] =	ssyncset.done $0x0  }
0xf0: {  	[sflag:s30] =	ssyncadd.s32 $0xFFFFC000  }
0xf1: {  	[spmem:s3] =	stream.indirect.scatter.add.f32 [tilespmem:s28], [sflag:$0x7], $0x40, s16, s21, $0xb8;
	[tilespmem:$0x1F380] =	vst v63  }
0xf2: {  	_ = 	snop  }
0xf3: {  	[spmem:s4] =	stream.indirect.scatter.add.f32 [tilespmem:s20], [sflag:$0x9], $0x1, s16, s21, $0xb8;
	[tilespmem:$0x1F380] =	vst v63  }
0xf4: {  	_ =	swait.ge [sflag:s18], $0x100  }
0xf5: {  	[sflag:s18] =	ssyncset.done $0x0  }
0xf6: {  	[sflag:s18] =	ssyncadd.s32 $0xFFFFFF00  }
0xf7: {  	_ =	swait.ge [sflag:s7], $0x4000  }
0xf8: {  	[sflag:s7] =	ssyncset.done $0x0  }
0xf9: {  	[sflag:s7] =	ssyncadd.s32 $0xFFFFC000  }
0xfa: {  	_ =	swait.ge [sflag:s8], $0x4000  }
0xfb: {  	[sflag:s8] =	ssyncset.done $0x0  }
0xfc: {  	[sflag:s8] =	ssyncadd.s32 $0xFFFFC000  }
0xfd: {  	[spmem:s3] =	stream.indirect.scatter.add.f32 [tilespmem:s31], [sflag:$0x8], $0x40, s17, s21, $0xb8;
	[tilespmem:$0x1F380] =	vst v63  }
0xfe: {  	_ = 	snop  }
0xff: {  	[spmem:s4] =	stream.indirect.scatter.add.f32 [tilespmem:s20], [sflag:$0x9], $0x1, s17, s21, $0xb8;
	[tilespmem:$0x1F380] =	vst v63  }
0x100: {  	_ =	swait.ge [sflag:s18], $0x100  }
0x101: {  	[sflag:s18] =	ssyncset.done $0x0  }
0x102: {  	[sflag:s18] =	ssyncadd.s32 $0xFFFFFF00  }
0x103: {  	_ =	swait.ge [sflag:s10], $0x4000  }
0x104: {  	[sflag:s10] =	ssyncset.done $0x0  }
0x105: {  	[sflag:s10] =	ssyncadd.s32 $0xFFFFC000  }
0x106: {  	_ =	swait.ge [sflag:s13], $0x4000  }
0x107: {  	[sflag:s13] =	ssyncset.done $0x0  }
0x108: {  	[sflag:s13] =	ssyncadd.s32 $0xFFFFC000  }
0x109: {  	[bflag:$0x0] =	sbarrier.arrive $0xFFFF  }
0x10a: {  	s6 =	rddreg [dreg:$0xc]  }
0x10b: {  	s9 =	rddreg [dreg:$0xf]  }
0x10c: {  	[hbm:s6], [sflag:s25] =	dma.local @p0 [spmem:s9], $0xC80  }
0x10d: {  	s6 =	simm.s32 @p0 $0x9  }
0x10e: {  	_ =	swait.ge @p0 [sflag:s6], $0xC80  }
0x10f: {  	[sflag:s6] =	ssyncset.done @p0 $0x0;
	s9 =	rddreg [dreg:$0xd]  }
0x110: {  	s26 =	rddreg [dreg:$0x10];
	[sflag:s6] =	ssyncadd.s32 @p0 $0xFFFFF380  }
0x111: {  	[hbm:s9], [sflag:s25] =	dma.local @p0 [spmem:s26], $0x32  }
0x112: {  	_ =	swait.ge @p0 [sflag:s6], $0x32  }
0x113: {  	[sflag:s6] =	ssyncset.done @p0 $0x0  }
0x114: {  	s9 =	rddreg [dreg:$0xa];
	[sflag:s6] =	ssyncadd.s32 @p0 $0xFFFFFFCE;
	s6 =	sshrl.u32 @!p0 s11, $0x3  }
0x115: {  	[hbm:s9], [sflag:s25] =	dma.local @!p0 [spmem:s6], $0x1400  }
0x116: {  	s6 =	simm.s32 @!p0 $0x9  }
0x117: {  	_ =	swait.ge @!p0 [sflag:s6], $0x1400  }
0x118: {  	[sflag:s6] =	ssyncset.done @!p0 $0x0  }
0x119: {  	s9 =	sshrl.u32 @!p0 s12, $0x3;
	s26 =	rddreg [dreg:$0xb];
	[sflag:s6] =	ssyncadd.s32 @!p0 $0xFFFFEC00  }
0x11a: {  	[hbm:s26], [sflag:s25] =	dma.local @!p0 [spmem:s9], $0x50  }
0x11b: {  	_ =	swait.ge @!p0 [sflag:s6], $0x50  }
0x11c: {  	s24 =	sadd.s32 $0x1, s24;
	s26 =	rddreg [dreg:$0xe]  }
0x11d: {  	p1 =	sne.s32 s24, s26  }
.Ltmp1:
0x11e: {  	_ = 	snop;
	(pc) =	sbr.rel @p1 .LBB2_1-.Ltmp1, $3  }
0x11f: {  	_ =	sdelay $0x1  }
0x120: {  	[sflag:s6] =	ssyncset.done @!p0 $0x0  }
0x121: {  	[sflag:s6] =	ssyncadd.s32 @!p0 $0xFFFFFFB0  }
0x122: {  	_ =	sfence.sel $0x180000  }
0x123: {  	[bflag:$0x0] =	sbarrier.arrive $0xFFFF  }
0x124: {  	_ =	strace $0x90000047  }
0x125: {  	s0 =	stileid.u32;
	[bflag:$0x2] =	sbarrier.arrive $0xFFFF  }
0x126: {  	p0 =	sne.s32 s0, $0x0;
	s0 =	rddreg [dreg:$0x4]  }
0x127: {  	s0 =	sadd.s32 @!p0 $0x100000, s0  }
0x128: {  	[sflag:s0] =	ssyncadd.tile.s32 @!p0 $0x1;
	_ =	shalt  }
.Lfunc_end2:
_tile_overlayer_lowered:
.L_overlay_start_2:
0x129: {  	(tag) =	ssettag $0x2  }
0x12a: {  	s0 =	rddreg [dreg:$0x0];
	s2 =	stileid.u32  }
0x12b: {  	s1 =	rddreg [dreg:$0x1];
	p0 =	sne.s32 s2, $0x0  }
0x12c: {  	s3 =	rddreg [dreg:$0x2];
	[bflag:$0x3] =	sbarrier.arrive $0xFFFF;
	s2 =	simm.s32 @!p0 $0x1C09  }
0x12d: {  	[timem:s3], [sflag:s2] =	dma.local @!p0 [hbm:s0], s1  }
0x12e: {  	s0 =	simm.s32 @!p0 $0x9  }
0x12f: {  	_ =	swait.ge @!p0 [sflag:s0], s1  }
0x130: {  	s1 =	ssub.s32 @!p0 $0x0, s1;
	[sflag:s0] =	ssyncset.done @!p0 $0x0  }
0x131: {  	[sflag:s0] =	ssyncadd.s32 @!p0 s1  }
0x132: {  	[bflag:$0x3] =	sbarrier.arrive $0xFFFF  }
0x133: {  	_ =	shalt  }

</sc_bundles>
